<compile_context>
chip_gen: v7x
topology: tpu7x:2x2x1
jax: 0.10.2.dev20260603
libtpu: 0.0.44.dev20260713+nightly
codegen_flags: <defaults>
</compile_context>

<pallas_src>
import jax
import jax.numpy as jnp
from jax import lax
from jax.experimental import pallas as pl
from jax.experimental.pallas import tpu as pltpu
from jax.experimental.pallas import tpu_sc as plsc

VOCAB = 100001
FEAT = 64
NFIELD = 7
B, T = 4096, 50
N = B * T
NC, NS = 2, 16
NW = NC * NS
TOK_PER_W = N // NW
CHUNK = 320
NCHUNK = TOK_PER_W // CHUNK
NSTREAM = 2 * NFIELD


def _sc_body(idx_hbm, *refs):
    tables = refs[:NSTREAM]
    re_out = refs[NSTREAM]
    im_out = refs[NSTREAM + 1]
    idx_full, gbuf, gsem, osem = refs[NSTREAM + 2:]

    wid = lax.axis_index("s") * NC + lax.axis_index("c")
    tile_base = wid * TOK_PER_W

    pltpu.sync_copy(idx_hbm.at[:, pl.ds(tile_base, TOK_PER_W)], idx_full)

    def chunk_body(c, carry):
        cbase = c * CHUNK
        obase = tile_base + cbase
        gd = [None] * NSTREAM
        od = [None] * NSTREAM

        def ocopy(s):
            f = s // 2
            out = re_out if s % 2 == 0 else im_out
            dst = out.at[pl.ds(obase, CHUNK), pl.ds(f * FEAT, FEAT)]
            return pltpu.async_copy(gbuf.at[s % 2], dst, osem.at[s % 2])

        for s in range(NSTREAM):
            if s >= 2:
                od[s - 2].wait()
            idx_ref = idx_full.at[s // 2, pl.ds(cbase, CHUNK)]
            gd[s] = pltpu.async_copy(
                tables[s].at[idx_ref], gbuf.at[s % 2], gsem.at[s % 2])
            if s >= 1:
                gd[s - 1].wait()
                od[s - 1] = ocopy(s - 1)
        gd[NSTREAM - 1].wait()
        od[NSTREAM - 1] = ocopy(NSTREAM - 1)
        od[NSTREAM - 2].wait()
        od[NSTREAM - 1].wait()
        return carry

    lax.fori_loop(0, NCHUNK, chunk_body, 0)


@jax.jit
def _sc_gather(idxT, *tables):
    fn = pl.kernel(
        _sc_body,
        out_type=(
            jax.ShapeDtypeStruct((N, NFIELD * FEAT), jnp.float32),
            jax.ShapeDtypeStruct((N, NFIELD * FEAT), jnp.float32),
        ),
        mesh=plsc.VectorSubcoreMesh(core_axis_name="c", subcore_axis_name="s"),
        scratch_types=[
            pltpu.VMEM((NFIELD, TOK_PER_W), jnp.int32),
            pltpu.VMEM((2, CHUNK, FEAT), jnp.float32),
            pltpu.SemaphoreType.DMA((2,)),
            pltpu.SemaphoreType.DMA((2,)),
        ],
        compiler_params=pltpu.CompilerParams(use_tc_tiling_on_sc=False),
    )
    return fn(idxT, *tables)


def kernel(data, yr_real, yr_imag, mt_real, mt_imag, x_real, x_imag,
           y_real, y_imag, m_real, m_imag, d_real, d_imag, t_real, t_imag):
    idxT = data.reshape(N, NFIELD).T
    re, im = _sc_gather(idxT, yr_real, yr_imag, mt_real, mt_imag, x_real,
                        x_imag, y_real, y_imag, m_real, m_imag, d_real,
                        d_imag, t_real, t_imag)
    re3 = re.reshape(B, T, NFIELD * FEAT)
    im3 = im.reshape(B, T, NFIELD * FEAT)
    zero = lax.optimization_barrier(jnp.float32(0.0))
    return lax.complex(re3 + zero, im3 + zero)

# --- scband reference (transcript-rebuilt; emitter-appended) ---
"""Pipeline reference for scband-custom-complex-embedding-38027640438968 (READ-ONLY COPY).

The authoritative reference and input builder live on the scoring server;
editing this copy changes nothing except your own understanding.
"""

import jax, jax.numpy as jnp
import numpy as np

VOCAB = 100001
FEAT = 64
B, T = 4096, 50


def setup_inputs(seed: int = 0):
    key = jax.random.key(seed)
    ks = jax.random.split(key, 15)
    data = jax.random.randint(ks[0], (B, T, 7), 0, 100000)
    inp = {"data": data}
    names = ["yr", "mt", "x", "y", "m", "d", "t"]
    for i, n in enumerate(names):
        inp[n + "_real"] = 0.02 * jax.random.normal(ks[1 + 2 * i], (VOCAB, FEAT), dtype=jnp.float32)
        inp[n + "_imag"] = 0.01 * jax.random.normal(ks[2 + 2 * i], (VOCAB, FEAT), dtype=jnp.float32)
    return inp


def _embed(tr, ti, idx):
    # ComplexEmbedding.forward: torch.complex(real(x), imag(x))
    return jax.lax.complex(jnp.take(tr, idx, axis=0), jnp.take(ti, idx, axis=0))


def reference(data, yr_real, yr_imag, mt_real, mt_imag, x_real, x_imag,
              y_real, y_imag, m_real, m_imag, d_real, d_imag, t_real, t_imag):
    embs = [
        _embed(yr_real, yr_imag, data[:, :, 0]),
        _embed(mt_real, mt_imag, data[:, :, 1]),
        _embed(x_real, x_imag, data[:, :, 2]),
        _embed(y_real, y_imag, data[:, :, 3]),
        _embed(m_real, m_imag, data[:, :, 4]),
        _embed(d_real, d_imag, data[:, :, 5]),
        _embed(t_real, t_imag, data[:, :, 6]),
    ]
    return jnp.concatenate(embs, axis=-1)

if __name__ == "__main__":
    import jax
    _d = setup_inputs()
    print(jax.jit(kernel)(*tuple(_d.values())))

</pallas_src>

<mosaic_0001>
#map = affine_map<(d0, d1) -> (0, 0)>
module attributes {stable_mosaic.version = 14 : i64} {
  func.func @_sc_body(%arg0: i32, %arg1: i32, %arg2: memref<7x204800xi32, #tpu.memory_space<hbm>>, %arg3: memref<100001x64xf32, #tpu.memory_space<hbm>>, %arg4: memref<100001x64xf32, #tpu.memory_space<hbm>>, %arg5: memref<100001x64xf32, #tpu.memory_space<hbm>>, %arg6: memref<100001x64xf32, #tpu.memory_space<hbm>>, %arg7: memref<100001x64xf32, #tpu.memory_space<hbm>>, %arg8: memref<100001x64xf32, #tpu.memory_space<hbm>>, %arg9: memref<100001x64xf32, #tpu.memory_space<hbm>>, %arg10: memref<100001x64xf32, #tpu.memory_space<hbm>>, %arg11: memref<100001x64xf32, #tpu.memory_space<hbm>>, %arg12: memref<100001x64xf32, #tpu.memory_space<hbm>>, %arg13: memref<100001x64xf32, #tpu.memory_space<hbm>>, %arg14: memref<100001x64xf32, #tpu.memory_space<hbm>>, %arg15: memref<100001x64xf32, #tpu.memory_space<hbm>>, %arg16: memref<100001x64xf32, #tpu.memory_space<hbm>>, %arg17: memref<204800x448xf32, #tpu.memory_space<hbm>>, %arg18: memref<204800x448xf32, #tpu.memory_space<hbm>>, %arg19: memref<7x6400xi32, #tpu.memory_space<vmem>>, %arg20: memref<2x320x64xf32, #tpu.memory_space<vmem>>, %arg21: memref<2x!tpu.dma_semaphore, #tpu.memory_space<semaphore_mem>>, %arg22: memref<2x!tpu.dma_semaphore, #tpu.memory_space<semaphore_mem>>) attributes {dimension_semantics = [#tpu.dimension_semantics<core_parallel>, #tpu.dimension_semantics<subcore_parallel>], iteration_bounds = array<i64: 2, 16>, scalar_prefetch = 0 : i64, scratch_operands = 4 : i64, tpu.core_type = #tpu.core_type<sc_vector_subcore>, window_params = [{transform_indices = #map}, {transform_indices = #map}, {transform_indices = #map}, {transform_indices = #map}, {transform_indices = #map}, {transform_indices = #map}, {transform_indices = #map}, {transform_indices = #map}, {transform_indices = #map}, {transform_indices = #map}, {transform_indices = #map}, {transform_indices = #map}, {transform_indices = #map}, {transform_indices = #map}, {transform_indices = #map}, {transform_indices = #map}, {transform_indices = #map}]} {
    %mul3A = arith.constant 2 : i32
    %mul3A_0 = arith.muli %arg1, %mul3A : i32
    %add3A = arith.addi %mul3A_0, %arg0 : i32
    %mul3A_1 = arith.constant 6400 : i32
    %mul3A_2 = arith.muli %add3A, %mul3A_1 : i32
    "tpu.region"() ({
      %run_scoped3A = tpu.sem_alloc : memref<!tpu.dma_semaphore, #tpu.memory_space<semaphore_mem>>
      %dma_start3A = arith.constant 0 : i32
      %dma_start3A_8 = tpu.memref_slice %arg2[%dma_start3A, %mul3A_2] : memref<7x204800xi32, #tpu.memory_space<hbm>> -> memref<7x6400xi32, #tpu.memory_space<hbm>>
      %dma_start3A_9 = arith.constant 0 : i32
      %dma_start3A_10 = tpu.memref_slice %arg2[%dma_start3A_9, %mul3A_2] : memref<7x204800xi32, #tpu.memory_space<hbm>> -> memref<7x6400xi32, #tpu.memory_space<hbm>>
      tpu.enqueue_dma source(%dma_start3A_10 : memref<7x6400xi32, #tpu.memory_space<hbm>>) target(%arg19 : memref<7x6400xi32, #tpu.memory_space<vmem>>) target_semaphore(%run_scoped3A : memref<!tpu.dma_semaphore, #tpu.memory_space<semaphore_mem>>)
      %dma_wait3A = arith.constant 0 : i32
      %dma_wait3A_11 = tpu.memref_slice %arg2[%dma_wait3A, %mul3A_2] : memref<7x204800xi32, #tpu.memory_space<hbm>> -> memref<7x6400xi32, #tpu.memory_space<hbm>>
      %dma_wait3A_12 = arith.constant 0 : i32
      %dma_wait3A_13 = tpu.memref_slice %arg2[%dma_wait3A_12, %mul3A_2] : memref<7x204800xi32, #tpu.memory_space<hbm>> -> memref<7x6400xi32, #tpu.memory_space<hbm>>
      tpu.wait_dma2 semaphore(%run_scoped3A : memref<!tpu.dma_semaphore, #tpu.memory_space<semaphore_mem>>) src(%dma_wait3A_13 : memref<7x6400xi32, #tpu.memory_space<hbm>>) dst(%arg19 : memref<7x6400xi32, #tpu.memory_space<vmem>>)
      tpu.yield
    }) : () -> ()
    %scan3A = arith.constant 0 : i32
    %scan3A_3 = arith.constant 0 : i32
    %scan3A_4 = arith.constant 20 : i32
    %scan3A_5 = arith.addi %scan3A_3, %scan3A_4 : i32
    %scan3A_6 = arith.constant 1 : i32
    scf.for %scan3A_8 = %scan3A_3 to %scan3A_5 step %scan3A_6  : i32 {
      %mul3A_9 = arith.constant 320 : i32
      %mul3A_10 = arith.muli %scan3A_8, %mul3A_9 : i32
      %add3A_11 = arith.addi %mul3A_2, %mul3A_10 : i32
      %dma_start3A = arith.constant 0 : i32
      %dma_start3A_12 = arith.constant 0 : i32
      %dma_start3A_13 = arith.constant 0 : i32
      %dma_start3A_14 = arith.constant 0 : i32
      %dma_start3A_15 = arith.constant 0 : i32
      %dma_start3A_16 = tpu.memref_slice %arg20[%dma_start3A_12, %dma_start3A_14, %dma_start3A_15] : memref<2x320x64xf32, #tpu.memory_space<vmem>> -> memref<1x320x64xf32, #tpu.memory_space<vmem>>
      %dma_start3A_17 = tpu.memref_squeeze %dma_start3A_16 : memref<1x320x64xf32, #tpu.memory_space<vmem>> -> memref<320x64xf32, #tpu.memory_space<vmem>>
      %dma_start3A_18 = tpu.memref_slice %arg19[%dma_start3A, %mul3A_10] : memref<7x6400xi32, #tpu.memory_space<vmem>> -> memref<1x320xi32, #tpu.memory_space<vmem>>
      %dma_start3A_19 = tpu.memref_squeeze %dma_start3A_18 : memref<1x320xi32, #tpu.memory_space<vmem>> -> memref<320xi32, #tpu.memory_space<vmem>>
      %dma_start3A_20 = arith.constant 0 : i32
      %dma_start3A_21 = arith.constant 0 : i32
      %dma_start3A_22 = tpu.memref_slice %arg3[%dma_start3A_20, %dma_start3A_21] : memref<100001x64xf32, #tpu.memory_space<hbm>> -> memref<100001x64xf32, #tpu.memory_space<hbm>>
      %dma_start3A_23 = tpu.memref_slice %arg21[%dma_start3A_13] : memref<2x!tpu.dma_semaphore, #tpu.memory_space<semaphore_mem>> -> memref<1x!tpu.dma_semaphore, #tpu.memory_space<semaphore_mem>>
      %dma_start3A_24 = tpu.memref_squeeze %dma_start3A_23 : memref<1x!tpu.dma_semaphore, #tpu.memory_space<semaphore_mem>> -> memref<!tpu.dma_semaphore, #tpu.memory_space<semaphore_mem>>
      tpu.enqueue_indirect_dma source(%dma_start3A_22 : memref<100001x64xf32, #tpu.memory_space<hbm>>) target(%dma_start3A_17 : memref<320x64xf32, #tpu.memory_space<vmem>>) offsets(%dma_start3A_19 : memref<320xi32, #tpu.memory_space<vmem>>) semaphore(%dma_start3A_24 : memref<!tpu.dma_semaphore, #tpu.memory_space<semaphore_mem>>)
      %dma_start3A_25 = arith.constant 0 : i32
      %dma_start3A_26 = arith.constant 1 : i32
      %dma_start3A_27 = arith.constant 1 : i32
      %dma_start3A_28 = arith.constant 0 : i32
      %dma_start3A_29 = arith.constant 0 : i32
      %dma_start3A_30 = tpu.memref_slice %arg20[%dma_start3A_26, %dma_start3A_28, %dma_start3A_29] : memref<2x320x64xf32, #tpu.memory_space<vmem>> -> memref<1x320x64xf32, #tpu.memory_space<vmem>>
      %dma_start3A_31 = tpu.memref_squeeze %dma_start3A_30 : memref<1x320x64xf32, #tpu.memory_space<vmem>> -> memref<320x64xf32, #tpu.memory_space<vmem>>
      %dma_start3A_32 = tpu.memref_slice %arg19[%dma_start3A_25, %mul3A_10] : memref<7x6400xi32, #tpu.memory_space<vmem>> -> memref<1x320xi32, #tpu.memory_space<vmem>>
      %dma_start3A_33 = tpu.memref_squeeze %dma_start3A_32 : memref<1x320xi32, #tpu.memory_space<vmem>> -> memref<320xi32, #tpu.memory_space<vmem>>
      %dma_start3A_34 = arith.constant 0 : i32
      %dma_start3A_35 = arith.constant 0 : i32
      %dma_start3A_36 = tpu.memref_slice %arg4[%dma_start3A_34, %dma_start3A_35] : memref<100001x64xf32, #tpu.memory_space<hbm>> -> memref<100001x64xf32, #tpu.memory_space<hbm>>
      %dma_start3A_37 = tpu.memref_slice %arg21[%dma_start3A_27] : memref<2x!tpu.dma_semaphore, #tpu.memory_space<semaphore_mem>> -> memref<1x!tpu.dma_semaphore, #tpu.memory_space<semaphore_mem>>
      %dma_start3A_38 = tpu.memref_squeeze %dma_start3A_37 : memref<1x!tpu.dma_semaphore, #tpu.memory_space<semaphore_mem>> -> memref<!tpu.dma_semaphore, #tpu.memory_space<semaphore_mem>>
      tpu.enqueue_indirect_dma source(%dma_start3A_36 : memref<100001x64xf32, #tpu.memory_space<hbm>>) target(%dma_start3A_31 : memref<320x64xf32, #tpu.memory_space<vmem>>) offsets(%dma_start3A_33 : memref<320xi32, #tpu.memory_space<vmem>>) semaphore(%dma_start3A_38 : memref<!tpu.dma_semaphore, #tpu.memory_space<semaphore_mem>>)
      %dma_wait3A = arith.constant 0 : i32
      %dma_wait3A_39 = arith.constant 0 : i32
      %dma_wait3A_40 = arith.constant 0 : i32
      %dma_wait3A_41 = arith.constant 0 : i32
      %dma_wait3A_42 = arith.constant 0 : i32
      %dma_wait3A_43 = tpu.memref_slice %arg20[%dma_wait3A_39, %dma_wait3A_41, %dma_wait3A_42] : memref<2x320x64xf32, #tpu.memory_space<vmem>> -> memref<1x320x64xf32, #tpu.memory_space<vmem>>
      %dma_wait3A_44 = tpu.memref_squeeze %dma_wait3A_43 : memref<1x320x64xf32, #tpu.memory_space<vmem>> -> memref<320x64xf32, #tpu.memory_space<vmem>>
      %dma_wait3A_45 = tpu.memref_slice %arg19[%dma_wait3A, %mul3A_10] : memref<7x6400xi32, #tpu.memory_space<vmem>> -> memref<1x320xi32, #tpu.memory_space<vmem>>
      %dma_wait3A_46 = tpu.memref_squeeze %dma_wait3A_45 : memref<1x320xi32, #tpu.memory_space<vmem>> -> memref<320xi32, #tpu.memory_space<vmem>>
      %dma_wait3A_47 = arith.constant 0 : i32
      %dma_wait3A_48 = arith.constant 0 : i32
      %dma_wait3A_49 = tpu.memref_slice %arg3[%dma_wait3A_47, %dma_wait3A_48] : memref<100001x64xf32, #tpu.memory_space<hbm>> -> memref<100001x64xf32, #tpu.memory_space<hbm>>
      %dma_wait3A_50 = tpu.memref_slice %arg21[%dma_wait3A_40] : memref<2x!tpu.dma_semaphore, #tpu.memory_space<semaphore_mem>> -> memref<1x!tpu.dma_semaphore, #tpu.memory_space<semaphore_mem>>
      %dma_wait3A_51 = tpu.memref_squeeze %dma_wait3A_50 : memref<1x!tpu.dma_semaphore, #tpu.memory_space<semaphore_mem>> -> memref<!tpu.dma_semaphore, #tpu.memory_space<semaphore_mem>>
      tpu.wait_indirect_dma semaphore(%dma_wait3A_51 : memref<!tpu.dma_semaphore, #tpu.memory_space<semaphore_mem>>) src(%dma_wait3A_49 : memref<100001x64xf32, #tpu.memory_space<hbm>>) dst(%dma_wait3A_44 : memref<320x64xf32, #tpu.memory_space<vmem>>)
      %dma_start3A_52 = arith.constant 0 : i32
      %dma_start3A_53 = arith.constant 0 : i32
      %dma_start3A_54 = arith.constant 0 : i32
      %dma_start3A_55 = arith.constant 0 : i32
      %dma_start3A_56 = tpu.memref_slice %arg20[%dma_start3A_52, %dma_start3A_54, %dma_start3A_55] : memref<2x320x64xf32, #tpu.memory_space<vmem>> -> memref<1x320x64xf32, #tpu.memory_space<vmem>>
      %dma_start3A_57 = tpu.memref_squeeze %dma_start3A_56 : memref<1x320x64xf32, #tpu.memory_space<vmem>> -> memref<320x64xf32, #tpu.memory_space<vmem>>
      %dma_start3A_58 = arith.constant 0 : i32
      %dma_start3A_59 = tpu.memref_slice %arg17[%add3A_11, %dma_start3A_58] : memref<204800x448xf32, #tpu.memory_space<hbm>> -> memref<320x64xf32, #tpu.memory_space<hbm>>
      %dma_start3A_60 = tpu.memref_slice %arg22[%dma_start3A_53] : memref<2x!tpu.dma_semaphore, #tpu.memory_space<semaphore_mem>> -> memref<1x!tpu.dma_semaphore, #tpu.memory_space<semaphore_mem>>
      %dma_start3A_61 = tpu.memref_squeeze %dma_start3A_60 : memref<1x!tpu.dma_semaphore, #tpu.memory_space<semaphore_mem>> -> memref<!tpu.dma_semaphore, #tpu.memory_space<semaphore_mem>>
      %dma_start3A_62 = arith.constant 0 : i32
      %dma_start3A_63 = tpu.memref_slice %arg17[%add3A_11, %dma_start3A_62] : memref<204800x448xf32, #tpu.memory_space<hbm>> -> memref<320x64xf32, #tpu.memory_space<hbm>>
      %dma_start3A_64 = arith.constant 0 : i32
      %dma_start3A_65 = arith.constant 0 : i32
      %dma_start3A_66 = tpu.memref_slice %arg20[%dma_start3A_52, %dma_start3A_64, %dma_start3A_65] : memref<2x320x64xf32, #tpu.memory_space<vmem>> -> memref<1x320x64xf32, #tpu.memory_space<vmem>>
      %dma_start3A_67 = tpu.memref_squeeze %dma_start3A_66 : memref<1x320x64xf32, #tpu.memory_space<vmem>> -> memref<320x64xf32, #tpu.memory_space<vmem>>
      tpu.enqueue_dma source(%dma_start3A_67 : memref<320x64xf32, #tpu.memory_space<vmem>>) target(%dma_start3A_63 : memref<320x64xf32, #tpu.memory_space<hbm>>) target_semaphore(%dma_start3A_61 : memref<!tpu.dma_semaphore, #tpu.memory_space<semaphore_mem>>)
      %dma_wait3A_68 = arith.constant 0 : i32
      %dma_wait3A_69 = arith.constant 0 : i32
      %dma_wait3A_70 = arith.constant 0 : i32
      %dma_wait3A_71 = arith.constant 0 : i32
      %dma_wait3A_72 = tpu.memref_slice %arg20[%dma_wait3A_68, %dma_wait3A_70, %dma_wait3A_71] : memref<2x320x64xf32, #tpu.memory_space<vmem>> -> memref<1x320x64xf32, #tpu.memory_space<vmem>>
      %dma_wait3A_73 = tpu.memref_squeeze %dma_wait3A_72 : memref<1x320x64xf32, #tpu.memory_space<vmem>> -> memref<320x64xf32, #tpu.memory_space<vmem>>
      %dma_wait3A_74 = arith.constant 0 : i32
      %dma_wait3A_75 = tpu.memref_slice %arg17[%add3A_11, %dma_wait3A_74] : memref<204800x448xf32, #tpu.memory_space<hbm>> -> memref<320x64xf32, #tpu.memory_space<hbm>>
      %dma_wait3A_76 = tpu.memref_slice %arg22[%dma_wait3A_69] : memref<2x!tpu.dma_semaphore, #tpu.memory_space<semaphore_mem>> -> memref<1x!tpu.dma_semaphore, #tpu.memory_space<semaphore_mem>>
      %dma_wait3A_77 = tpu.memref_squeeze %dma_wait3A_76 : memref<1x!tpu.dma_semaphore, #tpu.memory_space<semaphore_mem>> -> memref<!tpu.dma_semaphore, #tpu.memory_space<semaphore_mem>>
      %dma_wait3A_78 = arith.constant 0 : i32
      %dma_wait3A_79 = tpu.memref_slice %arg17[%add3A_11, %dma_wait3A_78] : memref<204800x448xf32, #tpu.memory_space<hbm>> -> memref<320x64xf32, #tpu.memory_space<hbm>>
      %dma_wait3A_80 = arith.constant 0 : i32
      %dma_wait3A_81 = arith.constant 0 : i32
      %dma_wait3A_82 = tpu.memref_slice %arg20[%dma_wait3A_68, %dma_wait3A_80, %dma_wait3A_81] : memref<2x320x64xf32, #tpu.memory_space<vmem>> -> memref<1x320x64xf32, #tpu.memory_space<vmem>>
      %dma_wait3A_83 = tpu.memref_squeeze %dma_wait3A_82 : memref<1x320x64xf32, #tpu.memory_space<vmem>> -> memref<320x64xf32, #tpu.memory_space<vmem>>
      tpu.wait_dma2 semaphore(%dma_wait3A_77 : memref<!tpu.dma_semaphore, #tpu.memory_space<semaphore_mem>>) src(%dma_wait3A_83 : memref<320x64xf32, #tpu.memory_space<vmem>>) dst(%dma_wait3A_79 : memref<320x64xf32, #tpu.memory_space<hbm>>)
      %dma_start3A_84 = arith.constant 1 : i32
      %dma_start3A_85 = arith.constant 0 : i32
      %dma_start3A_86 = arith.constant 0 : i32
      %dma_start3A_87 = arith.constant 0 : i32
      %dma_start3A_88 = arith.constant 0 : i32
      %dma_start3A_89 = tpu.memref_slice %arg20[%dma_start3A_85, %dma_start3A_87, %dma_start3A_88] : memref<2x320x64xf32, #tpu.memory_space<vmem>> -> memref<1x320x64xf32, #tpu.memory_space<vmem>>
      %dma_start3A_90 = tpu.memref_squeeze %dma_start3A_89 : memref<1x320x64xf32, #tpu.memory_space<vmem>> -> memref<320x64xf32, #tpu.memory_space<vmem>>
      %dma_start3A_91 = tpu.memref_slice %arg19[%dma_start3A_84, %mul3A_10] : memref<7x6400xi32, #tpu.memory_space<vmem>> -> memref<1x320xi32, #tpu.memory_space<vmem>>
      %dma_start3A_92 = tpu.memref_squeeze %dma_start3A_91 : memref<1x320xi32, #tpu.memory_space<vmem>> -> memref<320xi32, #tpu.memory_space<vmem>>
      %dma_start3A_93 = arith.constant 0 : i32
      %dma_start3A_94 = arith.constant 0 : i32
      %dma_start3A_95 = tpu.memref_slice %arg5[%dma_start3A_93, %dma_start3A_94] : memref<100001x64xf32, #tpu.memory_space<hbm>> -> memref<100001x64xf32, #tpu.memory_space<hbm>>
      %dma_start3A_96 = tpu.memref_slice %arg21[%dma_start3A_86] : memref<2x!tpu.dma_semaphore, #tpu.memory_space<semaphore_mem>> -> memref<1x!tpu.dma_semaphore, #tpu.memory_space<semaphore_mem>>
      %dma_start3A_97 = tpu.memref_squeeze %dma_start3A_96 : memref<1x!tpu.dma_semaphore, #tpu.memory_space<semaphore_mem>> -> memref<!tpu.dma_semaphore, #tpu.memory_space<semaphore_mem>>
      tpu.enqueue_indirect_dma source(%dma_start3A_95 : memref<100001x64xf32, #tpu.memory_space<hbm>>) target(%dma_start3A_90 : memref<320x64xf32, #tpu.memory_space<vmem>>) offsets(%dma_start3A_92 : memref<320xi32, #tpu.memory_space<vmem>>) semaphore(%dma_start3A_97 : memref<!tpu.dma_semaphore, #tpu.memory_space<semaphore_mem>>)
      %dma_wait3A_98 = arith.constant 0 : i32
      %dma_wait3A_99 = arith.constant 1 : i32
      %dma_wait3A_100 = arith.constant 1 : i32
      %dma_wait3A_101 = arith.constant 0 : i32
      %dma_wait3A_102 = arith.constant 0 : i32
      %dma_wait3A_103 = tpu.memref_slice %arg20[%dma_wait3A_99, %dma_wait3A_101, %dma_wait3A_102] : memref<2x320x64xf32, #tpu.memory_space<vmem>> -> memref<1x320x64xf32, #tpu.memory_space<vmem>>
      %dma_wait3A_104 = tpu.memref_squeeze %dma_wait3A_103 : memref<1x320x64xf32, #tpu.memory_space<vmem>> -> memref<320x64xf32, #tpu.memory_space<vmem>>
      %dma_wait3A_105 = tpu.memref_slice %arg19[%dma_wait3A_98, %mul3A_10] : memref<7x6400xi32, #tpu.memory_space<vmem>> -> memref<1x320xi32, #tpu.memory_space<vmem>>
      %dma_wait3A_106 = tpu.memref_squeeze %dma_wait3A_105 : memref<1x320xi32, #tpu.memory_space<vmem>> -> memref<320xi32, #tpu.memory_space<vmem>>
      %dma_wait3A_107 = arith.constant 0 : i32
      %dma_wait3A_108 = arith.constant 0 : i32
      %dma_wait3A_109 = tpu.memref_slice %arg4[%dma_wait3A_107, %dma_wait3A_108] : memref<100001x64xf32, #tpu.memory_space<hbm>> -> memref<100001x64xf32, #tpu.memory_space<hbm>>
      %dma_wait3A_110 = tpu.memref_slice %arg21[%dma_wait3A_100] : memref<2x!tpu.dma_semaphore, #tpu.memory_space<semaphore_mem>> -> memref<1x!tpu.dma_semaphore, #tpu.memory_space<semaphore_mem>>
      %dma_wait3A_111 = tpu.memref_squeeze %dma_wait3A_110 : memref<1x!tpu.dma_semaphore, #tpu.memory_space<semaphore_mem>> -> memref<!tpu.dma_semaphore, #tpu.memory_space<semaphore_mem>>
      tpu.wait_indirect_dma semaphore(%dma_wait3A_111 : memref<!tpu.dma_semaphore, #tpu.memory_space<semaphore_mem>>) src(%dma_wait3A_109 : memref<100001x64xf32, #tpu.memory_space<hbm>>) dst(%dma_wait3A_104 : memref<320x64xf32, #tpu.memory_space<vmem>>)
      %dma_start3A_112 = arith.constant 1 : i32
      %dma_start3A_113 = arith.constant 1 : i32
      %dma_start3A_114 = arith.constant 0 : i32
      %dma_start3A_115 = arith.constant 0 : i32
      %dma_start3A_116 = tpu.memref_slice %arg20[%dma_start3A_112, %dma_start3A_114, %dma_start3A_115] : memref<2x320x64xf32, #tpu.memory_space<vmem>> -> memref<1x320x64xf32, #tpu.memory_space<vmem>>
      %dma_start3A_117 = tpu.memref_squeeze %dma_start3A_116 : memref<1x320x64xf32, #tpu.memory_space<vmem>> -> memref<320x64xf32, #tpu.memory_space<vmem>>
      %dma_start3A_118 = arith.constant 0 : i32
      %dma_start3A_119 = tpu.memref_slice %arg18[%add3A_11, %dma_start3A_118] : memref<204800x448xf32, #tpu.memory_space<hbm>> -> memref<320x64xf32, #tpu.memory_space<hbm>>
      %dma_start3A_120 = tpu.memref_slice %arg22[%dma_start3A_113] : memref<2x!tpu.dma_semaphore, #tpu.memory_space<semaphore_mem>> -> memref<1x!tpu.dma_semaphore, #tpu.memory_space<semaphore_mem>>
      %dma_start3A_121 = tpu.memref_squeeze %dma_start3A_120 : memref<1x!tpu.dma_semaphore, #tpu.memory_space<semaphore_mem>> -> memref<!tpu.dma_semaphore, #tpu.memory_space<semaphore_mem>>
      %dma_start3A_122 = arith.constant 0 : i32
      %dma_start3A_123 = tpu.memref_slice %arg18[%add3A_11, %dma_start3A_122] : memref<204800x448xf32, #tpu.memory_space<hbm>> -> memref<320x64xf32, #tpu.memory_space<hbm>>
      %dma_start3A_124 = arith.constant 0 : i32
      %dma_start3A_125 = arith.constant 0 : i32
      %dma_start3A_126 = tpu.memref_slice %arg20[%dma_start3A_112, %dma_start3A_124, %dma_start3A_125] : memref<2x320x64xf32, #tpu.memory_space<vmem>> -> memref<1x320x64xf32, #tpu.memory_space<vmem>>
      %dma_start3A_127 = tpu.memref_squeeze %dma_start3A_126 : memref<1x320x64xf32, #tpu.memory_space<vmem>> -> memref<320x64xf32, #tpu.memory_space<vmem>>
      tpu.enqueue_dma source(%dma_start3A_127 : memref<320x64xf32, #tpu.memory_space<vmem>>) target(%dma_start3A_123 : memref<320x64xf32, #tpu.memory_space<hbm>>) target_semaphore(%dma_start3A_121 : memref<!tpu.dma_semaphore, #tpu.memory_space<semaphore_mem>>)
      %dma_wait3A_128 = arith.constant 1 : i32
      %dma_wait3A_129 = arith.constant 1 : i32
      %dma_wait3A_130 = arith.constant 0 : i32
      %dma_wait3A_131 = arith.constant 0 : i32
      %dma_wait3A_132 = tpu.memref_slice %arg20[%dma_wait3A_128, %dma_wait3A_130, %dma_wait3A_131] : memref<2x320x64xf32, #tpu.memory_space<vmem>> -> memref<1x320x64xf32, #tpu.memory_space<vmem>>
      %dma_wait3A_133 = tpu.memref_squeeze %dma_wait3A_132 : memref<1x320x64xf32, #tpu.memory_space<vmem>> -> memref<320x64xf32, #tpu.memory_space<vmem>>
      %dma_wait3A_134 = arith.constant 0 : i32
      %dma_wait3A_135 = tpu.memref_slice %arg18[%add3A_11, %dma_wait3A_134] : memref<204800x448xf32, #tpu.memory_space<hbm>> -> memref<320x64xf32, #tpu.memory_space<hbm>>
      %dma_wait3A_136 = tpu.memref_slice %arg22[%dma_wait3A_129] : memref<2x!tpu.dma_semaphore, #tpu.memory_space<semaphore_mem>> -> memref<1x!tpu.dma_semaphore, #tpu.memory_space<semaphore_mem>>
      %dma_wait3A_137 = tpu.memref_squeeze %dma_wait3A_136 : memref<1x!tpu.dma_semaphore, #tpu.memory_space<semaphore_mem>> -> memref<!tpu.dma_semaphore, #tpu.memory_space<semaphore_mem>>
      %dma_wait3A_138 = arith.constant 0 : i32
      %dma_wait3A_139 = tpu.memref_slice %arg18[%add3A_11, %dma_wait3A_138] : memref<204800x448xf32, #tpu.memory_space<hbm>> -> memref<320x64xf32, #tpu.memory_space<hbm>>
      %dma_wait3A_140 = arith.constant 0 : i32
      %dma_wait3A_141 = arith.constant 0 : i32
      %dma_wait3A_142 = tpu.memref_slice %arg20[%dma_wait3A_128, %dma_wait3A_140, %dma_wait3A_141] : memref<2x320x64xf32, #tpu.memory_space<vmem>> -> memref<1x320x64xf32, #tpu.memory_space<vmem>>
      %dma_wait3A_143 = tpu.memref_squeeze %dma_wait3A_142 : memref<1x320x64xf32, #tpu.memory_space<vmem>> -> memref<320x64xf32, #tpu.memory_space<vmem>>
      tpu.wait_dma2 semaphore(%dma_wait3A_137 : memref<!tpu.dma_semaphore, #tpu.memory_space<semaphore_mem>>) src(%dma_wait3A_143 : memref<320x64xf32, #tpu.memory_space<vmem>>) dst(%dma_wait3A_139 : memref<320x64xf32, #tpu.memory_space<hbm>>)
      %dma_start3A_144 = arith.constant 1 : i32
      %dma_start3A_145 = arith.constant 1 : i32
      %dma_start3A_146 = arith.constant 1 : i32
      %dma_start3A_147 = arith.constant 0 : i32
      %dma_start3A_148 = arith.constant 0 : i32
      %dma_start3A_149 = tpu.memref_slice %arg20[%dma_start3A_145, %dma_start3A_147, %dma_start3A_148] : memref<2x320x64xf32, #tpu.memory_space<vmem>> -> memref<1x320x64xf32, #tpu.memory_space<vmem>>
      %dma_start3A_150 = tpu.memref_squeeze %dma_start3A_149 : memref<1x320x64xf32, #tpu.memory_space<vmem>> -> memref<320x64xf32, #tpu.memory_space<vmem>>
      %dma_start3A_151 = tpu.memref_slice %arg19[%dma_start3A_144, %mul3A_10] : memref<7x6400xi32, #tpu.memory_space<vmem>> -> memref<1x320xi32, #tpu.memory_space<vmem>>
      %dma_start3A_152 = tpu.memref_squeeze %dma_start3A_151 : memref<1x320xi32, #tpu.memory_space<vmem>> -> memref<320xi32, #tpu.memory_space<vmem>>
      %dma_start3A_153 = arith.constant 0 : i32
      %dma_start3A_154 = arith.constant 0 : i32
      %dma_start3A_155 = tpu.memref_slice %arg6[%dma_start3A_153, %dma_start3A_154] : memref<100001x64xf32, #tpu.memory_space<hbm>> -> memref<100001x64xf32, #tpu.memory_space<hbm>>
      %dma_start3A_156 = tpu.memref_slice %arg21[%dma_start3A_146] : memref<2x!tpu.dma_semaphore, #tpu.memory_space<semaphore_mem>> -> memref<1x!tpu.dma_semaphore, #tpu.memory_space<semaphore_mem>>
      %dma_start3A_157 = tpu.memref_squeeze %dma_start3A_156 : memref<1x!tpu.dma_semaphore, #tpu.memory_space<semaphore_mem>> -> memref<!tpu.dma_semaphore, #tpu.memory_space<semaphore_mem>>
      tpu.enqueue_indirect_dma source(%dma_start3A_155 : memref<100001x64xf32, #tpu.memory_space<hbm>>) target(%dma_start3A_150 : memref<320x64xf32, #tpu.memory_space<vmem>>) offsets(%dma_start3A_152 : memref<320xi32, #tpu.memory_space<vmem>>) semaphore(%dma_start3A_157 : memref<!tpu.dma_semaphore, #tpu.memory_space<semaphore_mem>>)
      %dma_wait3A_158 = arith.constant 1 : i32
      %dma_wait3A_159 = arith.constant 0 : i32
      %dma_wait3A_160 = arith.constant 0 : i32
      %dma_wait3A_161 = arith.constant 0 : i32
      %dma_wait3A_162 = arith.constant 0 : i32
      %dma_wait3A_163 = tpu.memref_slice %arg20[%dma_wait3A_159, %dma_wait3A_161, %dma_wait3A_162] : memref<2x320x64xf32, #tpu.memory_space<vmem>> -> memref<1x320x64xf32, #tpu.memory_space<vmem>>
      %dma_wait3A_164 = tpu.memref_squeeze %dma_wait3A_163 : memref<1x320x64xf32, #tpu.memory_space<vmem>> -> memref<320x64xf32, #tpu.memory_space<vmem>>
      %dma_wait3A_165 = tpu.memref_slice %arg19[%dma_wait3A_158, %mul3A_10] : memref<7x6400xi32, #tpu.memory_space<vmem>> -> memref<1x320xi32, #tpu.memory_space<vmem>>
      %dma_wait3A_166 = tpu.memref_squeeze %dma_wait3A_165 : memref<1x320xi32, #tpu.memory_space<vmem>> -> memref<320xi32, #tpu.memory_space<vmem>>
      %dma_wait3A_167 = arith.constant 0 : i32
      %dma_wait3A_168 = arith.constant 0 : i32
      %dma_wait3A_169 = tpu.memref_slice %arg5[%dma_wait3A_167, %dma_wait3A_168] : memref<100001x64xf32, #tpu.memory_space<hbm>> -> memref<100001x64xf32, #tpu.memory_space<hbm>>
      %dma_wait3A_170 = tpu.memref_slice %arg21[%dma_wait3A_160] : memref<2x!tpu.dma_semaphore, #tpu.memory_space<semaphore_mem>> -> memref<1x!tpu.dma_semaphore, #tpu.memory_space<semaphore_mem>>
      %dma_wait3A_171 = tpu.memref_squeeze %dma_wait3A_170 : memref<1x!tpu.dma_semaphore, #tpu.memory_space<semaphore_mem>> -> memref<!tpu.dma_semaphore, #tpu.memory_space<semaphore_mem>>
      tpu.wait_indirect_dma semaphore(%dma_wait3A_171 : memref<!tpu.dma_semaphore, #tpu.memory_space<semaphore_mem>>) src(%dma_wait3A_169 : memref<100001x64xf32, #tpu.memory_space<hbm>>) dst(%dma_wait3A_164 : memref<320x64xf32, #tpu.memory_space<vmem>>)
      %dma_start3A_172 = arith.constant 0 : i32
      %dma_start3A_173 = arith.constant 0 : i32
      %dma_start3A_174 = arith.constant 0 : i32
      %dma_start3A_175 = arith.constant 0 : i32
      %dma_start3A_176 = tpu.memref_slice %arg20[%dma_start3A_172, %dma_start3A_174, %dma_start3A_175] : memref<2x320x64xf32, #tpu.memory_space<vmem>> -> memref<1x320x64xf32, #tpu.memory_space<vmem>>
      %dma_start3A_177 = tpu.memref_squeeze %dma_start3A_176 : memref<1x320x64xf32, #tpu.memory_space<vmem>> -> memref<320x64xf32, #tpu.memory_space<vmem>>
      %dma_start3A_178 = arith.constant 64 : i32
      %dma_start3A_179 = tpu.memref_slice %arg17[%add3A_11, %dma_start3A_178] : memref<204800x448xf32, #tpu.memory_space<hbm>> -> memref<320x64xf32, #tpu.memory_space<hbm>>
      %dma_start3A_180 = tpu.memref_slice %arg22[%dma_start3A_173] : memref<2x!tpu.dma_semaphore, #tpu.memory_space<semaphore_mem>> -> memref<1x!tpu.dma_semaphore, #tpu.memory_space<semaphore_mem>>
      %dma_start3A_181 = tpu.memref_squeeze %dma_start3A_180 : memref<1x!tpu.dma_semaphore, #tpu.memory_space<semaphore_mem>> -> memref<!tpu.dma_semaphore, #tpu.memory_space<semaphore_mem>>
      %dma_start3A_182 = arith.constant 64 : i32
      %dma_start3A_183 = tpu.memref_slice %arg17[%add3A_11, %dma_start3A_182] : memref<204800x448xf32, #tpu.memory_space<hbm>> -> memref<320x64xf32, #tpu.memory_space<hbm>>
      %dma_start3A_184 = arith.constant 0 : i32
      %dma_start3A_185 = arith.constant 0 : i32
      %dma_start3A_186 = tpu.memref_slice %arg20[%dma_start3A_172, %dma_start3A_184, %dma_start3A_185] : memref<2x320x64xf32, #tpu.memory_space<vmem>> -> memref<1x320x64xf32, #tpu.memory_space<vmem>>
      %dma_start3A_187 = tpu.memref_squeeze %dma_start3A_186 : memref<1x320x64xf32, #tpu.memory_space<vmem>> -> memref<320x64xf32, #tpu.memory_space<vmem>>
      tpu.enqueue_dma source(%dma_start3A_187 : memref<320x64xf32, #tpu.memory_space<vmem>>) target(%dma_start3A_183 : memref<320x64xf32, #tpu.memory_space<hbm>>) target_semaphore(%dma_start3A_181 : memref<!tpu.dma_semaphore, #tpu.memory_space<semaphore_mem>>)
      %dma_wait3A_188 = arith.constant 0 : i32
      %dma_wait3A_189 = arith.constant 0 : i32
      %dma_wait3A_190 = arith.constant 0 : i32
      %dma_wait3A_191 = arith.constant 0 : i32
      %dma_wait3A_192 = tpu.memref_slice %arg20[%dma_wait3A_188, %dma_wait3A_190, %dma_wait3A_191] : memref<2x320x64xf32, #tpu.memory_space<vmem>> -> memref<1x320x64xf32, #tpu.memory_space<vmem>>
      %dma_wait3A_193 = tpu.memref_squeeze %dma_wait3A_192 : memref<1x320x64xf32, #tpu.memory_space<vmem>> -> memref<320x64xf32, #tpu.memory_space<vmem>>
      %dma_wait3A_194 = arith.constant 64 : i32
      %dma_wait3A_195 = tpu.memref_slice %arg17[%add3A_11, %dma_wait3A_194] : memref<204800x448xf32, #tpu.memory_space<hbm>> -> memref<320x64xf32, #tpu.memory_space<hbm>>
      %dma_wait3A_196 = tpu.memref_slice %arg22[%dma_wait3A_189] : memref<2x!tpu.dma_semaphore, #tpu.memory_space<semaphore_mem>> -> memref<1x!tpu.dma_semaphore, #tpu.memory_space<semaphore_mem>>
      %dma_wait3A_197 = tpu.memref_squeeze %dma_wait3A_196 : memref<1x!tpu.dma_semaphore, #tpu.memory_space<semaphore_mem>> -> memref<!tpu.dma_semaphore, #tpu.memory_space<semaphore_mem>>
      %dma_wait3A_198 = arith.constant 64 : i32
      %dma_wait3A_199 = tpu.memref_slice %arg17[%add3A_11, %dma_wait3A_198] : memref<204800x448xf32, #tpu.memory_space<hbm>> -> memref<320x64xf32, #tpu.memory_space<hbm>>
      %dma_wait3A_200 = arith.constant 0 : i32
      %dma_wait3A_201 = arith.constant 0 : i32
      %dma_wait3A_202 = tpu.memref_slice %arg20[%dma_wait3A_188, %dma_wait3A_200, %dma_wait3A_201] : memref<2x320x64xf32, #tpu.memory_space<vmem>> -> memref<1x320x64xf32, #tpu.memory_space<vmem>>
      %dma_wait3A_203 = tpu.memref_squeeze %dma_wait3A_202 : memref<1x320x64xf32, #tpu.memory_space<vmem>> -> memref<320x64xf32, #tpu.memory_space<vmem>>
      tpu.wait_dma2 semaphore(%dma_wait3A_197 : memref<!tpu.dma_semaphore, #tpu.memory_space<semaphore_mem>>) src(%dma_wait3A_203 : memref<320x64xf32, #tpu.memory_space<vmem>>) dst(%dma_wait3A_199 : memref<320x64xf32, #tpu.memory_space<hbm>>)
      %dma_start3A_204 = arith.constant 2 : i32
      %dma_start3A_205 = arith.constant 0 : i32
      %dma_start3A_206 = arith.constant 0 : i32
      %dma_start3A_207 = arith.constant 0 : i32
      %dma_start3A_208 = arith.constant 0 : i32
      %dma_start3A_209 = tpu.memref_slice %arg20[%dma_start3A_205, %dma_start3A_207, %dma_start3A_208] : memref<2x320x64xf32, #tpu.memory_space<vmem>> -> memref<1x320x64xf32, #tpu.memory_space<vmem>>
      %dma_start3A_210 = tpu.memref_squeeze %dma_start3A_209 : memref<1x320x64xf32, #tpu.memory_space<vmem>> -> memref<320x64xf32, #tpu.memory_space<vmem>>
      %dma_start3A_211 = tpu.memref_slice %arg19[%dma_start3A_204, %mul3A_10] : memref<7x6400xi32, #tpu.memory_space<vmem>> -> memref<1x320xi32, #tpu.memory_space<vmem>>
      %dma_start3A_212 = tpu.memref_squeeze %dma_start3A_211 : memref<1x320xi32, #tpu.memory_space<vmem>> -> memref<320xi32, #tpu.memory_space<vmem>>
      %dma_start3A_213 = arith.constant 0 : i32
      %dma_start3A_214 = arith.constant 0 : i32
      %dma_start3A_215 = tpu.memref_slice %arg7[%dma_start3A_213, %dma_start3A_214] : memref<100001x64xf32, #tpu.memory_space<hbm>> -> memref<100001x64xf32, #tpu.memory_space<hbm>>
      %dma_start3A_216 = tpu.memref_slice %arg21[%dma_start3A_206] : memref<2x!tpu.dma_semaphore, #tpu.memory_space<semaphore_mem>> -> memref<1x!tpu.dma_semaphore, #tpu.memory_space<semaphore_mem>>
      %dma_start3A_217 = tpu.memref_squeeze %dma_start3A_216 : memref<1x!tpu.dma_semaphore, #tpu.memory_space<semaphore_mem>> -> memref<!tpu.dma_semaphore, #tpu.memory_space<semaphore_mem>>
      tpu.enqueue_indirect_dma source(%dma_start3A_215 : memref<100001x64xf32, #tpu.memory_space<hbm>>) target(%dma_start3A_210 : memref<320x64xf32, #tpu.memory_space<vmem>>) offsets(%dma_start3A_212 : memref<320xi32, #tpu.memory_space<vmem>>) semaphore(%dma_start3A_217 : memref<!tpu.dma_semaphore, #tpu.memory_space<semaphore_mem>>)
      %dma_wait3A_218 = arith.constant 1 : i32
      %dma_wait3A_219 = arith.constant 1 : i32
      %dma_wait3A_220 = arith.constant 1 : i32
      %dma_wait3A_221 = arith.constant 0 : i32
      %dma_wait3A_222 = arith.constant 0 : i32
      %dma_wait3A_223 = tpu.memref_slice %arg20[%dma_wait3A_219, %dma_wait3A_221, %dma_wait3A_222] : memref<2x320x64xf32, #tpu.memory_space<vmem>> -> memref<1x320x64xf32, #tpu.memory_space<vmem>>
      %dma_wait3A_224 = tpu.memref_squeeze %dma_wait3A_223 : memref<1x320x64xf32, #tpu.memory_space<vmem>> -> memref<320x64xf32, #tpu.memory_space<vmem>>
      %dma_wait3A_225 = tpu.memref_slice %arg19[%dma_wait3A_218, %mul3A_10] : memref<7x6400xi32, #tpu.memory_space<vmem>> -> memref<1x320xi32, #tpu.memory_space<vmem>>
      %dma_wait3A_226 = tpu.memref_squeeze %dma_wait3A_225 : memref<1x320xi32, #tpu.memory_space<vmem>> -> memref<320xi32, #tpu.memory_space<vmem>>
      %dma_wait3A_227 = arith.constant 0 : i32
      %dma_wait3A_228 = arith.constant 0 : i32
      %dma_wait3A_229 = tpu.memref_slice %arg6[%dma_wait3A_227, %dma_wait3A_228] : memref<100001x64xf32, #tpu.memory_space<hbm>> -> memref<100001x64xf32, #tpu.memory_space<hbm>>
      %dma_wait3A_230 = tpu.memref_slice %arg21[%dma_wait3A_220] : memref<2x!tpu.dma_semaphore, #tpu.memory_space<semaphore_mem>> -> memref<1x!tpu.dma_semaphore, #tpu.memory_space<semaphore_mem>>
      %dma_wait3A_231 = tpu.memref_squeeze %dma_wait3A_230 : memref<1x!tpu.dma_semaphore, #tpu.memory_space<semaphore_mem>> -> memref<!tpu.dma_semaphore, #tpu.memory_space<semaphore_mem>>
      tpu.wait_indirect_dma semaphore(%dma_wait3A_231 : memref<!tpu.dma_semaphore, #tpu.memory_space<semaphore_mem>>) src(%dma_wait3A_229 : memref<100001x64xf32, #tpu.memory_space<hbm>>) dst(%dma_wait3A_224 : memref<320x64xf32, #tpu.memory_space<vmem>>)
      %dma_start3A_232 = arith.constant 1 : i32
      %dma_start3A_233 = arith.constant 1 : i32
      %dma_start3A_234 = arith.constant 0 : i32
      %dma_start3A_235 = arith.constant 0 : i32
      %dma_start3A_236 = tpu.memref_slice %arg20[%dma_start3A_232, %dma_start3A_234, %dma_start3A_235] : memref<2x320x64xf32, #tpu.memory_space<vmem>> -> memref<1x320x64xf32, #tpu.memory_space<vmem>>
      %dma_start3A_237 = tpu.memref_squeeze %dma_start3A_236 : memref<1x320x64xf32, #tpu.memory_space<vmem>> -> memref<320x64xf32, #tpu.memory_space<vmem>>
      %dma_start3A_238 = arith.constant 64 : i32
      %dma_start3A_239 = tpu.memref_slice %arg18[%add3A_11, %dma_start3A_238] : memref<204800x448xf32, #tpu.memory_space<hbm>> -> memref<320x64xf32, #tpu.memory_space<hbm>>
      %dma_start3A_240 = tpu.memref_slice %arg22[%dma_start3A_233] : memref<2x!tpu.dma_semaphore, #tpu.memory_space<semaphore_mem>> -> memref<1x!tpu.dma_semaphore, #tpu.memory_space<semaphore_mem>>
      %dma_start3A_241 = tpu.memref_squeeze %dma_start3A_240 : memref<1x!tpu.dma_semaphore, #tpu.memory_space<semaphore_mem>> -> memref<!tpu.dma_semaphore, #tpu.memory_space<semaphore_mem>>
      %dma_start3A_242 = arith.constant 64 : i32
      %dma_start3A_243 = tpu.memref_slice %arg18[%add3A_11, %dma_start3A_242] : memref<204800x448xf32, #tpu.memory_space<hbm>> -> memref<320x64xf32, #tpu.memory_space<hbm>>
      %dma_start3A_244 = arith.constant 0 : i32
      %dma_start3A_245 = arith.constant 0 : i32
      %dma_start3A_246 = tpu.memref_slice %arg20[%dma_start3A_232, %dma_start3A_244, %dma_start3A_245] : memref<2x320x64xf32, #tpu.memory_space<vmem>> -> memref<1x320x64xf32, #tpu.memory_space<vmem>>
      %dma_start3A_247 = tpu.memref_squeeze %dma_start3A_246 : memref<1x320x64xf32, #tpu.memory_space<vmem>> -> memref<320x64xf32, #tpu.memory_space<vmem>>
      tpu.enqueue_dma source(%dma_start3A_247 : memref<320x64xf32, #tpu.memory_space<vmem>>) target(%dma_start3A_243 : memref<320x64xf32, #tpu.memory_space<hbm>>) target_semaphore(%dma_start3A_241 : memref<!tpu.dma_semaphore, #tpu.memory_space<semaphore_mem>>)
      %dma_wait3A_248 = arith.constant 1 : i32
      %dma_wait3A_249 = arith.constant 1 : i32
      %dma_wait3A_250 = arith.constant 0 : i32
      %dma_wait3A_251 = arith.constant 0 : i32
      %dma_wait3A_252 = tpu.memref_slice %arg20[%dma_wait3A_248, %dma_wait3A_250, %dma_wait3A_251] : memref<2x320x64xf32, #tpu.memory_space<vmem>> -> memref<1x320x64xf32, #tpu.memory_space<vmem>>
      %dma_wait3A_253 = tpu.memref_squeeze %dma_wait3A_252 : memref<1x320x64xf32, #tpu.memory_space<vmem>> -> memref<320x64xf32, #tpu.memory_space<vmem>>
      %dma_wait3A_254 = arith.constant 64 : i32
      %dma_wait3A_255 = tpu.memref_slice %arg18[%add3A_11, %dma_wait3A_254] : memref<204800x448xf32, #tpu.memory_space<hbm>> -> memref<320x64xf32, #tpu.memory_space<hbm>>
      %dma_wait3A_256 = tpu.memref_slice %arg22[%dma_wait3A_249] : memref<2x!tpu.dma_semaphore, #tpu.memory_space<semaphore_mem>> -> memref<1x!tpu.dma_semaphore, #tpu.memory_space<semaphore_mem>>
      %dma_wait3A_257 = tpu.memref_squeeze %dma_wait3A_256 : memref<1x!tpu.dma_semaphore, #tpu.memory_space<semaphore_mem>> -> memref<!tpu.dma_semaphore, #tpu.memory_space<semaphore_mem>>
      %dma_wait3A_258 = arith.constant 64 : i32
      %dma_wait3A_259 = tpu.memref_slice %arg18[%add3A_11, %dma_wait3A_258] : memref<204800x448xf32, #tpu.memory_space<hbm>> -> memref<320x64xf32, #tpu.memory_space<hbm>>
      %dma_wait3A_260 = arith.constant 0 : i32
      %dma_wait3A_261 = arith.constant 0 : i32
      %dma_wait3A_262 = tpu.memref_slice %arg20[%dma_wait3A_248, %dma_wait3A_260, %dma_wait3A_261] : memref<2x320x64xf32, #tpu.memory_space<vmem>> -> memref<1x320x64xf32, #tpu.memory_space<vmem>>
      %dma_wait3A_263 = tpu.memref_squeeze %dma_wait3A_262 : memref<1x320x64xf32, #tpu.memory_space<vmem>> -> memref<320x64xf32, #tpu.memory_space<vmem>>
      tpu.wait_dma2 semaphore(%dma_wait3A_257 : memref<!tpu.dma_semaphore, #tpu.memory_space<semaphore_mem>>) src(%dma_wait3A_263 : memref<320x64xf32, #tpu.memory_space<vmem>>) dst(%dma_wait3A_259 : memref<320x64xf32, #tpu.memory_space<hbm>>)
      %dma_start3A_264 = arith.constant 2 : i32
      %dma_start3A_265 = arith.constant 1 : i32
      %dma_start3A_266 = arith.constant 1 : i32
      %dma_start3A_267 = arith.constant 0 : i32
      %dma_start3A_268 = arith.constant 0 : i32
      %dma_start3A_269 = tpu.memref_slice %arg20[%dma_start3A_265, %dma_start3A_267, %dma_start3A_268] : memref<2x320x64xf32, #tpu.memory_space<vmem>> -> memref<1x320x64xf32, #tpu.memory_space<vmem>>
      %dma_start3A_270 = tpu.memref_squeeze %dma_start3A_269 : memref<1x320x64xf32, #tpu.memory_space<vmem>> -> memref<320x64xf32, #tpu.memory_space<vmem>>
      %dma_start3A_271 = tpu.memref_slice %arg19[%dma_start3A_264, %mul3A_10] : memref<7x6400xi32, #tpu.memory_space<vmem>> -> memref<1x320xi32, #tpu.memory_space<vmem>>
      %dma_start3A_272 = tpu.memref_squeeze %dma_start3A_271 : memref<1x320xi32, #tpu.memory_space<vmem>> -> memref<320xi32, #tpu.memory_space<vmem>>
      %dma_start3A_273 = arith.constant 0 : i32
      %dma_start3A_274 = arith.constant 0 : i32
      %dma_start3A_275 = tpu.memref_slice %arg8[%dma_start3A_273, %dma_start3A_274] : memref<100001x64xf32, #tpu.memory_space<hbm>> -> memref<100001x64xf32, #tpu.memory_space<hbm>>
      %dma_start3A_276 = tpu.memref_slice %arg21[%dma_start3A_266] : memref<2x!tpu.dma_semaphore, #tpu.memory_space<semaphore_mem>> -> memref<1x!tpu.dma_semaphore, #tpu.memory_space<semaphore_mem>>
      %dma_start3A_277 = tpu.memref_squeeze %dma_start3A_276 : memref<1x!tpu.dma_semaphore, #tpu.memory_space<semaphore_mem>> -> memref<!tpu.dma_semaphore, #tpu.memory_space<semaphore_mem>>
      tpu.enqueue_indirect_dma source(%dma_start3A_275 : memref<100001x64xf32, #tpu.memory_space<hbm>>) target(%dma_start3A_270 : memref<320x64xf32, #tpu.memory_space<vmem>>) offsets(%dma_start3A_272 : memref<320xi32, #tpu.memory_space<vmem>>) semaphore(%dma_start3A_277 : memref<!tpu.dma_semaphore, #tpu.memory_space<semaphore_mem>>)
      %dma_wait3A_278 = arith.constant 2 : i32
      %dma_wait3A_279 = arith.constant 0 : i32
      %dma_wait3A_280 = arith.constant 0 : i32
      %dma_wait3A_281 = arith.constant 0 : i32
      %dma_wait3A_282 = arith.constant 0 : i32
      %dma_wait3A_283 = tpu.memref_slice %arg20[%dma_wait3A_279, %dma_wait3A_281, %dma_wait3A_282] : memref<2x320x64xf32, #tpu.memory_space<vmem>> -> memref<1x320x64xf32, #tpu.memory_space<vmem>>
      %dma_wait3A_284 = tpu.memref_squeeze %dma_wait3A_283 : memref<1x320x64xf32, #tpu.memory_space<vmem>> -> memref<320x64xf32, #tpu.memory_space<vmem>>
      %dma_wait3A_285 = tpu.memref_slice %arg19[%dma_wait3A_278, %mul3A_10] : memref<7x6400xi32, #tpu.memory_space<vmem>> -> memref<1x320xi32, #tpu.memory_space<vmem>>
      %dma_wait3A_286 = tpu.memref_squeeze %dma_wait3A_285 : memref<1x320xi32, #tpu.memory_space<vmem>> -> memref<320xi32, #tpu.memory_space<vmem>>
      %dma_wait3A_287 = arith.constant 0 : i32
      %dma_wait3A_288 = arith.constant 0 : i32
      %dma_wait3A_289 = tpu.memref_slice %arg7[%dma_wait3A_287, %dma_wait3A_288] : memref<100001x64xf32, #tpu.memory_space<hbm>> -> memref<100001x64xf32, #tpu.memory_space<hbm>>
      %dma_wait3A_290 = tpu.memref_slice %arg21[%dma_wait3A_280] : memref<2x!tpu.dma_semaphore, #tpu.memory_space<semaphore_mem>> -> memref<1x!tpu.dma_semaphore, #tpu.memory_space<semaphore_mem>>
      %dma_wait3A_291 = tpu.memref_squeeze %dma_wait3A_290 : memref<1x!tpu.dma_semaphore, #tpu.memory_space<semaphore_mem>> -> memref<!tpu.dma_semaphore, #tpu.memory_space<semaphore_mem>>
      tpu.wait_indirect_dma semaphore(%dma_wait3A_291 : memref<!tpu.dma_semaphore, #tpu.memory_space<semaphore_mem>>) src(%dma_wait3A_289 : memref<100001x64xf32, #tpu.memory_space<hbm>>) dst(%dma_wait3A_284 : memref<320x64xf32, #tpu.memory_space<vmem>>)
      %dma_start3A_292 = arith.constant 0 : i32
      %dma_start3A_293 = arith.constant 0 : i32
      %dma_start3A_294 = arith.constant 0 : i32
      %dma_start3A_295 = arith.constant 0 : i32
      %dma_start3A_296 = tpu.memref_slice %arg20[%dma_start3A_292, %dma_start3A_294, %dma_start3A_295] : memref<2x320x64xf32, #tpu.memory_space<vmem>> -> memref<1x320x64xf32, #tpu.memory_space<vmem>>
      %dma_start3A_297 = tpu.memref_squeeze %dma_start3A_296 : memref<1x320x64xf32, #tpu.memory_space<vmem>> -> memref<320x64xf32, #tpu.memory_space<vmem>>
      %dma_start3A_298 = arith.constant 128 : i32
      %dma_start3A_299 = tpu.memref_slice %arg17[%add3A_11, %dma_start3A_298] : memref<204800x448xf32, #tpu.memory_space<hbm>> -> memref<320x64xf32, #tpu.memory_space<hbm>>
      %dma_start3A_300 = tpu.memref_slice %arg22[%dma_start3A_293] : memref<2x!tpu.dma_semaphore, #tpu.memory_space<semaphore_mem>> -> memref<1x!tpu.dma_semaphore, #tpu.memory_space<semaphore_mem>>
      %dma_start3A_301 = tpu.memref_squeeze %dma_start3A_300 : memref<1x!tpu.dma_semaphore, #tpu.memory_space<semaphore_mem>> -> memref<!tpu.dma_semaphore, #tpu.memory_space<semaphore_mem>>
      %dma_start3A_302 = arith.constant 128 : i32
      %dma_start3A_303 = tpu.memref_slice %arg17[%add3A_11, %dma_start3A_302] : memref<204800x448xf32, #tpu.memory_space<hbm>> -> memref<320x64xf32, #tpu.memory_space<hbm>>
      %dma_start3A_304 = arith.constant 0 : i32
      %dma_start3A_305 = arith.constant 0 : i32
      %dma_start3A_306 = tpu.memref_slice %arg20[%dma_start3A_292, %dma_start3A_304, %dma_start3A_305] : memref<2x320x64xf32, #tpu.memory_space<vmem>> -> memref<1x320x64xf32, #tpu.memory_space<vmem>>
      %dma_start3A_307 = tpu.memref_squeeze %dma_start3A_306 : memref<1x320x64xf32, #tpu.memory_space<vmem>> -> memref<320x64xf32, #tpu.memory_space<vmem>>
      tpu.enqueue_dma source(%dma_start3A_307 : memref<320x64xf32, #tpu.memory_space<vmem>>) target(%dma_start3A_303 : memref<320x64xf32, #tpu.memory_space<hbm>>) target_semaphore(%dma_start3A_301 : memref<!tpu.dma_semaphore, #tpu.memory_space<semaphore_mem>>)
      %dma_wait3A_308 = arith.constant 0 : i32
      %dma_wait3A_309 = arith.constant 0 : i32
      %dma_wait3A_310 = arith.constant 0 : i32
      %dma_wait3A_311 = arith.constant 0 : i32
      %dma_wait3A_312 = tpu.memref_slice %arg20[%dma_wait3A_308, %dma_wait3A_310, %dma_wait3A_311] : memref<2x320x64xf32, #tpu.memory_space<vmem>> -> memref<1x320x64xf32, #tpu.memory_space<vmem>>
      %dma_wait3A_313 = tpu.memref_squeeze %dma_wait3A_312 : memref<1x320x64xf32, #tpu.memory_space<vmem>> -> memref<320x64xf32, #tpu.memory_space<vmem>>
      %dma_wait3A_314 = arith.constant 128 : i32
      %dma_wait3A_315 = tpu.memref_slice %arg17[%add3A_11, %dma_wait3A_314] : memref<204800x448xf32, #tpu.memory_space<hbm>> -> memref<320x64xf32, #tpu.memory_space<hbm>>
      %dma_wait3A_316 = tpu.memref_slice %arg22[%dma_wait3A_309] : memref<2x!tpu.dma_semaphore, #tpu.memory_space<semaphore_mem>> -> memref<1x!tpu.dma_semaphore, #tpu.memory_space<semaphore_mem>>
      %dma_wait3A_317 = tpu.memref_squeeze %dma_wait3A_316 : memref<1x!tpu.dma_semaphore, #tpu.memory_space<semaphore_mem>> -> memref<!tpu.dma_semaphore, #tpu.memory_space<semaphore_mem>>
      %dma_wait3A_318 = arith.constant 128 : i32
      %dma_wait3A_319 = tpu.memref_slice %arg17[%add3A_11, %dma_wait3A_318] : memref<204800x448xf32, #tpu.memory_space<hbm>> -> memref<320x64xf32, #tpu.memory_space<hbm>>
      %dma_wait3A_320 = arith.constant 0 : i32
      %dma_wait3A_321 = arith.constant 0 : i32
      %dma_wait3A_322 = tpu.memref_slice %arg20[%dma_wait3A_308, %dma_wait3A_320, %dma_wait3A_321] : memref<2x320x64xf32, #tpu.memory_space<vmem>> -> memref<1x320x64xf32, #tpu.memory_space<vmem>>
      %dma_wait3A_323 = tpu.memref_squeeze %dma_wait3A_322 : memref<1x320x64xf32, #tpu.memory_space<vmem>> -> memref<320x64xf32, #tpu.memory_space<vmem>>
      tpu.wait_dma2 semaphore(%dma_wait3A_317 : memref<!tpu.dma_semaphore, #tpu.memory_space<semaphore_mem>>) src(%dma_wait3A_323 : memref<320x64xf32, #tpu.memory_space<vmem>>) dst(%dma_wait3A_319 : memref<320x64xf32, #tpu.memory_space<hbm>>)
      %dma_start3A_324 = arith.constant 3 : i32
      %dma_start3A_325 = arith.constant 0 : i32
      %dma_start3A_326 = arith.constant 0 : i32
      %dma_start3A_327 = arith.constant 0 : i32
      %dma_start3A_328 = arith.constant 0 : i32
      %dma_start3A_329 = tpu.memref_slice %arg20[%dma_start3A_325, %dma_start3A_327, %dma_start3A_328] : memref<2x320x64xf32, #tpu.memory_space<vmem>> -> memref<1x320x64xf32, #tpu.memory_space<vmem>>
      %dma_start3A_330 = tpu.memref_squeeze %dma_start3A_329 : memref<1x320x64xf32, #tpu.memory_space<vmem>> -> memref<320x64xf32, #tpu.memory_space<vmem>>
      %dma_start3A_331 = tpu.memref_slice %arg19[%dma_start3A_324, %mul3A_10] : memref<7x6400xi32, #tpu.memory_space<vmem>> -> memref<1x320xi32, #tpu.memory_space<vmem>>
      %dma_start3A_332 = tpu.memref_squeeze %dma_start3A_331 : memref<1x320xi32, #tpu.memory_space<vmem>> -> memref<320xi32, #tpu.memory_space<vmem>>
      %dma_start3A_333 = arith.constant 0 : i32
      %dma_start3A_334 = arith.constant 0 : i32
      %dma_start3A_335 = tpu.memref_slice %arg9[%dma_start3A_333, %dma_start3A_334] : memref<100001x64xf32, #tpu.memory_space<hbm>> -> memref<100001x64xf32, #tpu.memory_space<hbm>>
      %dma_start3A_336 = tpu.memref_slice %arg21[%dma_start3A_326] : memref<2x!tpu.dma_semaphore, #tpu.memory_space<semaphore_mem>> -> memref<1x!tpu.dma_semaphore, #tpu.memory_space<semaphore_mem>>
      %dma_start3A_337 = tpu.memref_squeeze %dma_start3A_336 : memref<1x!tpu.dma_semaphore, #tpu.memory_space<semaphore_mem>> -> memref<!tpu.dma_semaphore, #tpu.memory_space<semaphore_mem>>
      tpu.enqueue_indirect_dma source(%dma_start3A_335 : memref<100001x64xf32, #tpu.memory_space<hbm>>) target(%dma_start3A_330 : memref<320x64xf32, #tpu.memory_space<vmem>>) offsets(%dma_start3A_332 : memref<320xi32, #tpu.memory_space<vmem>>) semaphore(%dma_start3A_337 : memref<!tpu.dma_semaphore, #tpu.memory_space<semaphore_mem>>)
      %dma_wait3A_338 = arith.constant 2 : i32
      %dma_wait3A_339 = arith.constant 1 : i32
      %dma_wait3A_340 = arith.constant 1 : i32
      %dma_wait3A_341 = arith.constant 0 : i32
      %dma_wait3A_342 = arith.constant 0 : i32
      %dma_wait3A_343 = tpu.memref_slice %arg20[%dma_wait3A_339, %dma_wait3A_341, %dma_wait3A_342] : memref<2x320x64xf32, #tpu.memory_space<vmem>> -> memref<1x320x64xf32, #tpu.memory_space<vmem>>
      %dma_wait3A_344 = tpu.memref_squeeze %dma_wait3A_343 : memref<1x320x64xf32, #tpu.memory_space<vmem>> -> memref<320x64xf32, #tpu.memory_space<vmem>>
      %dma_wait3A_345 = tpu.memref_slice %arg19[%dma_wait3A_338, %mul3A_10] : memref<7x6400xi32, #tpu.memory_space<vmem>> -> memref<1x320xi32, #tpu.memory_space<vmem>>
      %dma_wait3A_346 = tpu.memref_squeeze %dma_wait3A_345 : memref<1x320xi32, #tpu.memory_space<vmem>> -> memref<320xi32, #tpu.memory_space<vmem>>
      %dma_wait3A_347 = arith.constant 0 : i32
      %dma_wait3A_348 = arith.constant 0 : i32
      %dma_wait3A_349 = tpu.memref_slice %arg8[%dma_wait3A_347, %dma_wait3A_348] : memref<100001x64xf32, #tpu.memory_space<hbm>> -> memref<100001x64xf32, #tpu.memory_space<hbm>>
      %dma_wait3A_350 = tpu.memref_slice %arg21[%dma_wait3A_340] : memref<2x!tpu.dma_semaphore, #tpu.memory_space<semaphore_mem>> -> memref<1x!tpu.dma_semaphore, #tpu.memory_space<semaphore_mem>>
      %dma_wait3A_351 = tpu.memref_squeeze %dma_wait3A_350 : memref<1x!tpu.dma_semaphore, #tpu.memory_space<semaphore_mem>> -> memref<!tpu.dma_semaphore, #tpu.memory_space<semaphore_mem>>
      tpu.wait_indirect_dma semaphore(%dma_wait3A_351 : memref<!tpu.dma_semaphore, #tpu.memory_space<semaphore_mem>>) src(%dma_wait3A_349 : memref<100001x64xf32, #tpu.memory_space<hbm>>) dst(%dma_wait3A_344 : memref<320x64xf32, #tpu.memory_space<vmem>>)
      %dma_start3A_352 = arith.constant 1 : i32
      %dma_start3A_353 = arith.constant 1 : i32
      %dma_start3A_354 = arith.constant 0 : i32
      %dma_start3A_355 = arith.constant 0 : i32
      %dma_start3A_356 = tpu.memref_slice %arg20[%dma_start3A_352, %dma_start3A_354, %dma_start3A_355] : memref<2x320x64xf32, #tpu.memory_space<vmem>> -> memref<1x320x64xf32, #tpu.memory_space<vmem>>
      %dma_start3A_357 = tpu.memref_squeeze %dma_start3A_356 : memref<1x320x64xf32, #tpu.memory_space<vmem>> -> memref<320x64xf32, #tpu.memory_space<vmem>>
      %dma_start3A_358 = arith.constant 128 : i32
      %dma_start3A_359 = tpu.memref_slice %arg18[%add3A_11, %dma_start3A_358] : memref<204800x448xf32, #tpu.memory_space<hbm>> -> memref<320x64xf32, #tpu.memory_space<hbm>>
      %dma_start3A_360 = tpu.memref_slice %arg22[%dma_start3A_353] : memref<2x!tpu.dma_semaphore, #tpu.memory_space<semaphore_mem>> -> memref<1x!tpu.dma_semaphore, #tpu.memory_space<semaphore_mem>>
      %dma_start3A_361 = tpu.memref_squeeze %dma_start3A_360 : memref<1x!tpu.dma_semaphore, #tpu.memory_space<semaphore_mem>> -> memref<!tpu.dma_semaphore, #tpu.memory_space<semaphore_mem>>
      %dma_start3A_362 = arith.constant 128 : i32
      %dma_start3A_363 = tpu.memref_slice %arg18[%add3A_11, %dma_start3A_362] : memref<204800x448xf32, #tpu.memory_space<hbm>> -> memref<320x64xf32, #tpu.memory_space<hbm>>
      %dma_start3A_364 = arith.constant 0 : i32
      %dma_start3A_365 = arith.constant 0 : i32
      %dma_start3A_366 = tpu.memref_slice %arg20[%dma_start3A_352, %dma_start3A_364, %dma_start3A_365] : memref<2x320x64xf32, #tpu.memory_space<vmem>> -> memref<1x320x64xf32, #tpu.memory_space<vmem>>
      %dma_start3A_367 = tpu.memref_squeeze %dma_start3A_366 : memref<1x320x64xf32, #tpu.memory_space<vmem>> -> memref<320x64xf32, #tpu.memory_space<vmem>>
      tpu.enqueue_dma source(%dma_start3A_367 : memref<320x64xf32, #tpu.memory_space<vmem>>) target(%dma_start3A_363 : memref<320x64xf32, #tpu.memory_space<hbm>>) target_semaphore(%dma_start3A_361 : memref<!tpu.dma_semaphore, #tpu.memory_space<semaphore_mem>>)
      %dma_wait3A_368 = arith.constant 1 : i32
      %dma_wait3A_369 = arith.constant 1 : i32
      %dma_wait3A_370 = arith.constant 0 : i32
      %dma_wait3A_371 = arith.constant 0 : i32
      %dma_wait3A_372 = tpu.memref_slice %arg20[%dma_wait3A_368, %dma_wait3A_370, %dma_wait3A_371] : memref<2x320x64xf32, #tpu.memory_space<vmem>> -> memref<1x320x64xf32, #tpu.memory_space<vmem>>
      %dma_wait3A_373 = tpu.memref_squeeze %dma_wait3A_372 : memref<1x320x64xf32, #tpu.memory_space<vmem>> -> memref<320x64xf32, #tpu.memory_space<vmem>>
      %dma_wait3A_374 = arith.constant 128 : i32
      %dma_wait3A_375 = tpu.memref_slice %arg18[%add3A_11, %dma_wait3A_374] : memref<204800x448xf32, #tpu.memory_space<hbm>> -> memref<320x64xf32, #tpu.memory_space<hbm>>
      %dma_wait3A_376 = tpu.memref_slice %arg22[%dma_wait3A_369] : memref<2x!tpu.dma_semaphore, #tpu.memory_space<semaphore_mem>> -> memref<1x!tpu.dma_semaphore, #tpu.memory_space<semaphore_mem>>
      %dma_wait3A_377 = tpu.memref_squeeze %dma_wait3A_376 : memref<1x!tpu.dma_semaphore, #tpu.memory_space<semaphore_mem>> -> memref<!tpu.dma_semaphore, #tpu.memory_space<semaphore_mem>>
      %dma_wait3A_378 = arith.constant 128 : i32
      %dma_wait3A_379 = tpu.memref_slice %arg18[%add3A_11, %dma_wait3A_378] : memref<204800x448xf32, #tpu.memory_space<hbm>> -> memref<320x64xf32, #tpu.memory_space<hbm>>
      %dma_wait3A_380 = arith.constant 0 : i32
      %dma_wait3A_381 = arith.constant 0 : i32
      %dma_wait3A_382 = tpu.memref_slice %arg20[%dma_wait3A_368, %dma_wait3A_380, %dma_wait3A_381] : memref<2x320x64xf32, #tpu.memory_space<vmem>> -> memref<1x320x64xf32, #tpu.memory_space<vmem>>
      %dma_wait3A_383 = tpu.memref_squeeze %dma_wait3A_382 : memref<1x320x64xf32, #tpu.memory_space<vmem>> -> memref<320x64xf32, #tpu.memory_space<vmem>>
      tpu.wait_dma2 semaphore(%dma_wait3A_377 : memref<!tpu.dma_semaphore, #tpu.memory_space<semaphore_mem>>) src(%dma_wait3A_383 : memref<320x64xf32, #tpu.memory_space<vmem>>) dst(%dma_wait3A_379 : memref<320x64xf32, #tpu.memory_space<hbm>>)
      %dma_start3A_384 = arith.constant 3 : i32
      %dma_start3A_385 = arith.constant 1 : i32
      %dma_start3A_386 = arith.constant 1 : i32
      %dma_start3A_387 = arith.constant 0 : i32
      %dma_start3A_388 = arith.constant 0 : i32
      %dma_start3A_389 = tpu.memref_slice %arg20[%dma_start3A_385, %dma_start3A_387, %dma_start3A_388] : memref<2x320x64xf32, #tpu.memory_space<vmem>> -> memref<1x320x64xf32, #tpu.memory_space<vmem>>
      %dma_start3A_390 = tpu.memref_squeeze %dma_start3A_389 : memref<1x320x64xf32, #tpu.memory_space<vmem>> -> memref<320x64xf32, #tpu.memory_space<vmem>>
      %dma_start3A_391 = tpu.memref_slice %arg19[%dma_start3A_384, %mul3A_10] : memref<7x6400xi32, #tpu.memory_space<vmem>> -> memref<1x320xi32, #tpu.memory_space<vmem>>
      %dma_start3A_392 = tpu.memref_squeeze %dma_start3A_391 : memref<1x320xi32, #tpu.memory_space<vmem>> -> memref<320xi32, #tpu.memory_space<vmem>>
      %dma_start3A_393 = arith.constant 0 : i32
      %dma_start3A_394 = arith.constant 0 : i32
      %dma_start3A_395 = tpu.memref_slice %arg10[%dma_start3A_393, %dma_start3A_394] : memref<100001x64xf32, #tpu.memory_space<hbm>> -> memref<100001x64xf32, #tpu.memory_space<hbm>>
      %dma_start3A_396 = tpu.memref_slice %arg21[%dma_start3A_386] : memref<2x!tpu.dma_semaphore, #tpu.memory_space<semaphore_mem>> -> memref<1x!tpu.dma_semaphore, #tpu.memory_space<semaphore_mem>>
      %dma_start3A_397 = tpu.memref_squeeze %dma_start3A_396 : memref<1x!tpu.dma_semaphore, #tpu.memory_space<semaphore_mem>> -> memref<!tpu.dma_semaphore, #tpu.memory_space<semaphore_mem>>
      tpu.enqueue_indirect_dma source(%dma_start3A_395 : memref<100001x64xf32, #tpu.memory_space<hbm>>) target(%dma_start3A_390 : memref<320x64xf32, #tpu.memory_space<vmem>>) offsets(%dma_start3A_392 : memref<320xi32, #tpu.memory_space<vmem>>) semaphore(%dma_start3A_397 : memref<!tpu.dma_semaphore, #tpu.memory_space<semaphore_mem>>)
      %dma_wait3A_398 = arith.constant 3 : i32
      %dma_wait3A_399 = arith.constant 0 : i32
      %dma_wait3A_400 = arith.constant 0 : i32
      %dma_wait3A_401 = arith.constant 0 : i32
      %dma_wait3A_402 = arith.constant 0 : i32
      %dma_wait3A_403 = tpu.memref_slice %arg20[%dma_wait3A_399, %dma_wait3A_401, %dma_wait3A_402] : memref<2x320x64xf32, #tpu.memory_space<vmem>> -> memref<1x320x64xf32, #tpu.memory_space<vmem>>
      %dma_wait3A_404 = tpu.memref_squeeze %dma_wait3A_403 : memref<1x320x64xf32, #tpu.memory_space<vmem>> -> memref<320x64xf32, #tpu.memory_space<vmem>>
      %dma_wait3A_405 = tpu.memref_slice %arg19[%dma_wait3A_398, %mul3A_10] : memref<7x6400xi32, #tpu.memory_space<vmem>> -> memref<1x320xi32, #tpu.memory_space<vmem>>
      %dma_wait3A_406 = tpu.memref_squeeze %dma_wait3A_405 : memref<1x320xi32, #tpu.memory_space<vmem>> -> memref<320xi32, #tpu.memory_space<vmem>>
      %dma_wait3A_407 = arith.constant 0 : i32
      %dma_wait3A_408 = arith.constant 0 : i32
      %dma_wait3A_409 = tpu.memref_slice %arg9[%dma_wait3A_407, %dma_wait3A_408] : memref<100001x64xf32, #tpu.memory_space<hbm>> -> memref<100001x64xf32, #tpu.memory_space<hbm>>
      %dma_wait3A_410 = tpu.memref_slice %arg21[%dma_wait3A_400] : memref<2x!tpu.dma_semaphore, #tpu.memory_space<semaphore_mem>> -> memref<1x!tpu.dma_semaphore, #tpu.memory_space<semaphore_mem>>
      %dma_wait3A_411 = tpu.memref_squeeze %dma_wait3A_410 : memref<1x!tpu.dma_semaphore, #tpu.memory_space<semaphore_mem>> -> memref<!tpu.dma_semaphore, #tpu.memory_space<semaphore_mem>>
      tpu.wait_indirect_dma semaphore(%dma_wait3A_411 : memref<!tpu.dma_semaphore, #tpu.memory_space<semaphore_mem>>) src(%dma_wait3A_409 : memref<100001x64xf32, #tpu.memory_space<hbm>>) dst(%dma_wait3A_404 : memref<320x64xf32, #tpu.memory_space<vmem>>)
      %dma_start3A_412 = arith.constant 0 : i32
      %dma_start3A_413 = arith.constant 0 : i32
      %dma_start3A_414 = arith.constant 0 : i32
      %dma_start3A_415 = arith.constant 0 : i32
      %dma_start3A_416 = tpu.memref_slice %arg20[%dma_start3A_412, %dma_start3A_414, %dma_start3A_415] : memref<2x320x64xf32, #tpu.memory_space<vmem>> -> memref<1x320x64xf32, #tpu.memory_space<vmem>>
      %dma_start3A_417 = tpu.memref_squeeze %dma_start3A_416 : memref<1x320x64xf32, #tpu.memory_space<vmem>> -> memref<320x64xf32, #tpu.memory_space<vmem>>
      %dma_start3A_418 = arith.constant 192 : i32
      %dma_start3A_419 = tpu.memref_slice %arg17[%add3A_11, %dma_start3A_418] : memref<204800x448xf32, #tpu.memory_space<hbm>> -> memref<320x64xf32, #tpu.memory_space<hbm>>
      %dma_start3A_420 = tpu.memref_slice %arg22[%dma_start3A_413] : memref<2x!tpu.dma_semaphore, #tpu.memory_space<semaphore_mem>> -> memref<1x!tpu.dma_semaphore, #tpu.memory_space<semaphore_mem>>
      %dma_start3A_421 = tpu.memref_squeeze %dma_start3A_420 : memref<1x!tpu.dma_semaphore, #tpu.memory_space<semaphore_mem>> -> memref<!tpu.dma_semaphore, #tpu.memory_space<semaphore_mem>>
      %dma_start3A_422 = arith.constant 192 : i32
      %dma_start3A_423 = tpu.memref_slice %arg17[%add3A_11, %dma_start3A_422] : memref<204800x448xf32, #tpu.memory_space<hbm>> -> memref<320x64xf32, #tpu.memory_space<hbm>>
      %dma_start3A_424 = arith.constant 0 : i32
      %dma_start3A_425 = arith.constant 0 : i32
      %dma_start3A_426 = tpu.memref_slice %arg20[%dma_start3A_412, %dma_start3A_424, %dma_start3A_425] : memref<2x320x64xf32, #tpu.memory_space<vmem>> -> memref<1x320x64xf32, #tpu.memory_space<vmem>>
      %dma_start3A_427 = tpu.memref_squeeze %dma_start3A_426 : memref<1x320x64xf32, #tpu.memory_space<vmem>> -> memref<320x64xf32, #tpu.memory_space<vmem>>
      tpu.enqueue_dma source(%dma_start3A_427 : memref<320x64xf32, #tpu.memory_space<vmem>>) target(%dma_start3A_423 : memref<320x64xf32, #tpu.memory_space<hbm>>) target_semaphore(%dma_start3A_421 : memref<!tpu.dma_semaphore, #tpu.memory_space<semaphore_mem>>)
      %dma_wait3A_428 = arith.constant 0 : i32
      %dma_wait3A_429 = arith.constant 0 : i32
      %dma_wait3A_430 = arith.constant 0 : i32
      %dma_wait3A_431 = arith.constant 0 : i32
      %dma_wait3A_432 = tpu.memref_slice %arg20[%dma_wait3A_428, %dma_wait3A_430, %dma_wait3A_431] : memref<2x320x64xf32, #tpu.memory_space<vmem>> -> memref<1x320x64xf32, #tpu.memory_space<vmem>>
      %dma_wait3A_433 = tpu.memref_squeeze %dma_wait3A_432 : memref<1x320x64xf32, #tpu.memory_space<vmem>> -> memref<320x64xf32, #tpu.memory_space<vmem>>
      %dma_wait3A_434 = arith.constant 192 : i32
      %dma_wait3A_435 = tpu.memref_slice %arg17[%add3A_11, %dma_wait3A_434] : memref<204800x448xf32, #tpu.memory_space<hbm>> -> memref<320x64xf32, #tpu.memory_space<hbm>>
      %dma_wait3A_436 = tpu.memref_slice %arg22[%dma_wait3A_429] : memref<2x!tpu.dma_semaphore, #tpu.memory_space<semaphore_mem>> -> memref<1x!tpu.dma_semaphore, #tpu.memory_space<semaphore_mem>>
      %dma_wait3A_437 = tpu.memref_squeeze %dma_wait3A_436 : memref<1x!tpu.dma_semaphore, #tpu.memory_space<semaphore_mem>> -> memref<!tpu.dma_semaphore, #tpu.memory_space<semaphore_mem>>
      %dma_wait3A_438 = arith.constant 192 : i32
      %dma_wait3A_439 = tpu.memref_slice %arg17[%add3A_11, %dma_wait3A_438] : memref<204800x448xf32, #tpu.memory_space<hbm>> -> memref<320x64xf32, #tpu.memory_space<hbm>>
      %dma_wait3A_440 = arith.constant 0 : i32
      %dma_wait3A_441 = arith.constant 0 : i32
      %dma_wait3A_442 = tpu.memref_slice %arg20[%dma_wait3A_428, %dma_wait3A_440, %dma_wait3A_441] : memref<2x320x64xf32, #tpu.memory_space<vmem>> -> memref<1x320x64xf32, #tpu.memory_space<vmem>>
      %dma_wait3A_443 = tpu.memref_squeeze %dma_wait3A_442 : memref<1x320x64xf32, #tpu.memory_space<vmem>> -> memref<320x64xf32, #tpu.memory_space<vmem>>
      tpu.wait_dma2 semaphore(%dma_wait3A_437 : memref<!tpu.dma_semaphore, #tpu.memory_space<semaphore_mem>>) src(%dma_wait3A_443 : memref<320x64xf32, #tpu.memory_space<vmem>>) dst(%dma_wait3A_439 : memref<320x64xf32, #tpu.memory_space<hbm>>)
      %dma_start3A_444 = arith.constant 4 : i32
      %dma_start3A_445 = arith.constant 0 : i32
      %dma_start3A_446 = arith.constant 0 : i32
      %dma_start3A_447 = arith.constant 0 : i32
      %dma_start3A_448 = arith.constant 0 : i32
      %dma_start3A_449 = tpu.memref_slice %arg20[%dma_start3A_445, %dma_start3A_447, %dma_start3A_448] : memref<2x320x64xf32, #tpu.memory_space<vmem>> -> memref<1x320x64xf32, #tpu.memory_space<vmem>>
      %dma_start3A_450 = tpu.memref_squeeze %dma_start3A_449 : memref<1x320x64xf32, #tpu.memory_space<vmem>> -> memref<320x64xf32, #tpu.memory_space<vmem>>
      %dma_start3A_451 = tpu.memref_slice %arg19[%dma_start3A_444, %mul3A_10] : memref<7x6400xi32, #tpu.memory_space<vmem>> -> memref<1x320xi32, #tpu.memory_space<vmem>>
      %dma_start3A_452 = tpu.memref_squeeze %dma_start3A_451 : memref<1x320xi32, #tpu.memory_space<vmem>> -> memref<320xi32, #tpu.memory_space<vmem>>
      %dma_start3A_453 = arith.constant 0 : i32
      %dma_start3A_454 = arith.constant 0 : i32
      %dma_start3A_455 = tpu.memref_slice %arg11[%dma_start3A_453, %dma_start3A_454] : memref<100001x64xf32, #tpu.memory_space<hbm>> -> memref<100001x64xf32, #tpu.memory_space<hbm>>
      %dma_start3A_456 = tpu.memref_slice %arg21[%dma_start3A_446] : memref<2x!tpu.dma_semaphore, #tpu.memory_space<semaphore_mem>> -> memref<1x!tpu.dma_semaphore, #tpu.memory_space<semaphore_mem>>
      %dma_start3A_457 = tpu.memref_squeeze %dma_start3A_456 : memref<1x!tpu.dma_semaphore, #tpu.memory_space<semaphore_mem>> -> memref<!tpu.dma_semaphore, #tpu.memory_space<semaphore_mem>>
      tpu.enqueue_indirect_dma source(%dma_start3A_455 : memref<100001x64xf32, #tpu.memory_space<hbm>>) target(%dma_start3A_450 : memref<320x64xf32, #tpu.memory_space<vmem>>) offsets(%dma_start3A_452 : memref<320xi32, #tpu.memory_space<vmem>>) semaphore(%dma_start3A_457 : memref<!tpu.dma_semaphore, #tpu.memory_space<semaphore_mem>>)
      %dma_wait3A_458 = arith.constant 3 : i32
      %dma_wait3A_459 = arith.constant 1 : i32
      %dma_wait3A_460 = arith.constant 1 : i32
      %dma_wait3A_461 = arith.constant 0 : i32
      %dma_wait3A_462 = arith.constant 0 : i32
      %dma_wait3A_463 = tpu.memref_slice %arg20[%dma_wait3A_459, %dma_wait3A_461, %dma_wait3A_462] : memref<2x320x64xf32, #tpu.memory_space<vmem>> -> memref<1x320x64xf32, #tpu.memory_space<vmem>>
      %dma_wait3A_464 = tpu.memref_squeeze %dma_wait3A_463 : memref<1x320x64xf32, #tpu.memory_space<vmem>> -> memref<320x64xf32, #tpu.memory_space<vmem>>
      %dma_wait3A_465 = tpu.memref_slice %arg19[%dma_wait3A_458, %mul3A_10] : memref<7x6400xi32, #tpu.memory_space<vmem>> -> memref<1x320xi32, #tpu.memory_space<vmem>>
      %dma_wait3A_466 = tpu.memref_squeeze %dma_wait3A_465 : memref<1x320xi32, #tpu.memory_space<vmem>> -> memref<320xi32, #tpu.memory_space<vmem>>
      %dma_wait3A_467 = arith.constant 0 : i32
      %dma_wait3A_468 = arith.constant 0 : i32
      %dma_wait3A_469 = tpu.memref_slice %arg10[%dma_wait3A_467, %dma_wait3A_468] : memref<100001x64xf32, #tpu.memory_space<hbm>> -> memref<100001x64xf32, #tpu.memory_space<hbm>>
      %dma_wait3A_470 = tpu.memref_slice %arg21[%dma_wait3A_460] : memref<2x!tpu.dma_semaphore, #tpu.memory_space<semaphore_mem>> -> memref<1x!tpu.dma_semaphore, #tpu.memory_space<semaphore_mem>>
      %dma_wait3A_471 = tpu.memref_squeeze %dma_wait3A_470 : memref<1x!tpu.dma_semaphore, #tpu.memory_space<semaphore_mem>> -> memref<!tpu.dma_semaphore, #tpu.memory_space<semaphore_mem>>
      tpu.wait_indirect_dma semaphore(%dma_wait3A_471 : memref<!tpu.dma_semaphore, #tpu.memory_space<semaphore_mem>>) src(%dma_wait3A_469 : memref<100001x64xf32, #tpu.memory_space<hbm>>) dst(%dma_wait3A_464 : memref<320x64xf32, #tpu.memory_space<vmem>>)
      %dma_start3A_472 = arith.constant 1 : i32
      %dma_start3A_473 = arith.constant 1 : i32
      %dma_start3A_474 = arith.constant 0 : i32
      %dma_start3A_475 = arith.constant 0 : i32
      %dma_start3A_476 = tpu.memref_slice %arg20[%dma_start3A_472, %dma_start3A_474, %dma_start3A_475] : memref<2x320x64xf32, #tpu.memory_space<vmem>> -> memref<1x320x64xf32, #tpu.memory_space<vmem>>
      %dma_start3A_477 = tpu.memref_squeeze %dma_start3A_476 : memref<1x320x64xf32, #tpu.memory_space<vmem>> -> memref<320x64xf32, #tpu.memory_space<vmem>>
      %dma_start3A_478 = arith.constant 192 : i32
      %dma_start3A_479 = tpu.memref_slice %arg18[%add3A_11, %dma_start3A_478] : memref<204800x448xf32, #tpu.memory_space<hbm>> -> memref<320x64xf32, #tpu.memory_space<hbm>>
      %dma_start3A_480 = tpu.memref_slice %arg22[%dma_start3A_473] : memref<2x!tpu.dma_semaphore, #tpu.memory_space<semaphore_mem>> -> memref<1x!tpu.dma_semaphore, #tpu.memory_space<semaphore_mem>>
      %dma_start3A_481 = tpu.memref_squeeze %dma_start3A_480 : memref<1x!tpu.dma_semaphore, #tpu.memory_space<semaphore_mem>> -> memref<!tpu.dma_semaphore, #tpu.memory_space<semaphore_mem>>
      %dma_start3A_482 = arith.constant 192 : i32
      %dma_start3A_483 = tpu.memref_slice %arg18[%add3A_11, %dma_start3A_482] : memref<204800x448xf32, #tpu.memory_space<hbm>> -> memref<320x64xf32, #tpu.memory_space<hbm>>
      %dma_start3A_484 = arith.constant 0 : i32
      %dma_start3A_485 = arith.constant 0 : i32
      %dma_start3A_486 = tpu.memref_slice %arg20[%dma_start3A_472, %dma_start3A_484, %dma_start3A_485] : memref<2x320x64xf32, #tpu.memory_space<vmem>> -> memref<1x320x64xf32, #tpu.memory_space<vmem>>
      %dma_start3A_487 = tpu.memref_squeeze %dma_start3A_486 : memref<1x320x64xf32, #tpu.memory_space<vmem>> -> memref<320x64xf32, #tpu.memory_space<vmem>>
      tpu.enqueue_dma source(%dma_start3A_487 : memref<320x64xf32, #tpu.memory_space<vmem>>) target(%dma_start3A_483 : memref<320x64xf32, #tpu.memory_space<hbm>>) target_semaphore(%dma_start3A_481 : memref<!tpu.dma_semaphore, #tpu.memory_space<semaphore_mem>>)
      %dma_wait3A_488 = arith.constant 1 : i32
      %dma_wait3A_489 = arith.constant 1 : i32
      %dma_wait3A_490 = arith.constant 0 : i32
      %dma_wait3A_491 = arith.constant 0 : i32
      %dma_wait3A_492 = tpu.memref_slice %arg20[%dma_wait3A_488, %dma_wait3A_490, %dma_wait3A_491] : memref<2x320x64xf32, #tpu.memory_space<vmem>> -> memref<1x320x64xf32, #tpu.memory_space<vmem>>
      %dma_wait3A_493 = tpu.memref_squeeze %dma_wait3A_492 : memref<1x320x64xf32, #tpu.memory_space<vmem>> -> memref<320x64xf32, #tpu.memory_space<vmem>>
      %dma_wait3A_494 = arith.constant 192 : i32
      %dma_wait3A_495 = tpu.memref_slice %arg18[%add3A_11, %dma_wait3A_494] : memref<204800x448xf32, #tpu.memory_space<hbm>> -> memref<320x64xf32, #tpu.memory_space<hbm>>
      %dma_wait3A_496 = tpu.memref_slice %arg22[%dma_wait3A_489] : memref<2x!tpu.dma_semaphore, #tpu.memory_space<semaphore_mem>> -> memref<1x!tpu.dma_semaphore, #tpu.memory_space<semaphore_mem>>
      %dma_wait3A_497 = tpu.memref_squeeze %dma_wait3A_496 : memref<1x!tpu.dma_semaphore, #tpu.memory_space<semaphore_mem>> -> memref<!tpu.dma_semaphore, #tpu.memory_space<semaphore_mem>>
      %dma_wait3A_498 = arith.constant 192 : i32
      %dma_wait3A_499 = tpu.memref_slice %arg18[%add3A_11, %dma_wait3A_498] : memref<204800x448xf32, #tpu.memory_space<hbm>> -> memref<320x64xf32, #tpu.memory_space<hbm>>
      %dma_wait3A_500 = arith.constant 0 : i32
      %dma_wait3A_501 = arith.constant 0 : i32
      %dma_wait3A_502 = tpu.memref_slice %arg20[%dma_wait3A_488, %dma_wait3A_500, %dma_wait3A_501] : memref<2x320x64xf32, #tpu.memory_space<vmem>> -> memref<1x320x64xf32, #tpu.memory_space<vmem>>
      %dma_wait3A_503 = tpu.memref_squeeze %dma_wait3A_502 : memref<1x320x64xf32, #tpu.memory_space<vmem>> -> memref<320x64xf32, #tpu.memory_space<vmem>>
      tpu.wait_dma2 semaphore(%dma_wait3A_497 : memref<!tpu.dma_semaphore, #tpu.memory_space<semaphore_mem>>) src(%dma_wait3A_503 : memref<320x64xf32, #tpu.memory_space<vmem>>) dst(%dma_wait3A_499 : memref<320x64xf32, #tpu.memory_space<hbm>>)
      %dma_start3A_504 = arith.constant 4 : i32
      %dma_start3A_505 = arith.constant 1 : i32
      %dma_start3A_506 = arith.constant 1 : i32
      %dma_start3A_507 = arith.constant 0 : i32
      %dma_start3A_508 = arith.constant 0 : i32
      %dma_start3A_509 = tpu.memref_slice %arg20[%dma_start3A_505, %dma_start3A_507, %dma_start3A_508] : memref<2x320x64xf32, #tpu.memory_space<vmem>> -> memref<1x320x64xf32, #tpu.memory_space<vmem>>
      %dma_start3A_510 = tpu.memref_squeeze %dma_start3A_509 : memref<1x320x64xf32, #tpu.memory_space<vmem>> -> memref<320x64xf32, #tpu.memory_space<vmem>>
      %dma_start3A_511 = tpu.memref_slice %arg19[%dma_start3A_504, %mul3A_10] : memref<7x6400xi32, #tpu.memory_space<vmem>> -> memref<1x320xi32, #tpu.memory_space<vmem>>
      %dma_start3A_512 = tpu.memref_squeeze %dma_start3A_511 : memref<1x320xi32, #tpu.memory_space<vmem>> -> memref<320xi32, #tpu.memory_space<vmem>>
      %dma_start3A_513 = arith.constant 0 : i32
      %dma_start3A_514 = arith.constant 0 : i32
      %dma_start3A_515 = tpu.memref_slice %arg12[%dma_start3A_513, %dma_start3A_514] : memref<100001x64xf32, #tpu.memory_space<hbm>> -> memref<100001x64xf32, #tpu.memory_space<hbm>>
      %dma_start3A_516 = tpu.memref_slice %arg21[%dma_start3A_506] : memref<2x!tpu.dma_semaphore, #tpu.memory_space<semaphore_mem>> -> memref<1x!tpu.dma_semaphore, #tpu.memory_space<semaphore_mem>>
      %dma_start3A_517 = tpu.memref_squeeze %dma_start3A_516 : memref<1x!tpu.dma_semaphore, #tpu.memory_space<semaphore_mem>> -> memref<!tpu.dma_semaphore, #tpu.memory_space<semaphore_mem>>
      tpu.enqueue_indirect_dma source(%dma_start3A_515 : memref<100001x64xf32, #tpu.memory_space<hbm>>) target(%dma_start3A_510 : memref<320x64xf32, #tpu.memory_space<vmem>>) offsets(%dma_start3A_512 : memref<320xi32, #tpu.memory_space<vmem>>) semaphore(%dma_start3A_517 : memref<!tpu.dma_semaphore, #tpu.memory_space<semaphore_mem>>)
      %dma_wait3A_518 = arith.constant 4 : i32
      %dma_wait3A_519 = arith.constant 0 : i32
      %dma_wait3A_520 = arith.constant 0 : i32
      %dma_wait3A_521 = arith.constant 0 : i32
      %dma_wait3A_522 = arith.constant 0 : i32
      %dma_wait3A_523 = tpu.memref_slice %arg20[%dma_wait3A_519, %dma_wait3A_521, %dma_wait3A_522] : memref<2x320x64xf32, #tpu.memory_space<vmem>> -> memref<1x320x64xf32, #tpu.memory_space<vmem>>
      %dma_wait3A_524 = tpu.memref_squeeze %dma_wait3A_523 : memref<1x320x64xf32, #tpu.memory_space<vmem>> -> memref<320x64xf32, #tpu.memory_space<vmem>>
      %dma_wait3A_525 = tpu.memref_slice %arg19[%dma_wait3A_518, %mul3A_10] : memref<7x6400xi32, #tpu.memory_space<vmem>> -> memref<1x320xi32, #tpu.memory_space<vmem>>
      %dma_wait3A_526 = tpu.memref_squeeze %dma_wait3A_525 : memref<1x320xi32, #tpu.memory_space<vmem>> -> memref<320xi32, #tpu.memory_space<vmem>>
      %dma_wait3A_527 = arith.constant 0 : i32
      %dma_wait3A_528 = arith.constant 0 : i32
      %dma_wait3A_529 = tpu.memref_slice %arg11[%dma_wait3A_527, %dma_wait3A_528] : memref<100001x64xf32, #tpu.memory_space<hbm>> -> memref<100001x64xf32, #tpu.memory_space<hbm>>
      %dma_wait3A_530 = tpu.memref_slice %arg21[%dma_wait3A_520] : memref<2x!tpu.dma_semaphore, #tpu.memory_space<semaphore_mem>> -> memref<1x!tpu.dma_semaphore, #tpu.memory_space<semaphore_mem>>
      %dma_wait3A_531 = tpu.memref_squeeze %dma_wait3A_530 : memref<1x!tpu.dma_semaphore, #tpu.memory_space<semaphore_mem>> -> memref<!tpu.dma_semaphore, #tpu.memory_space<semaphore_mem>>
      tpu.wait_indirect_dma semaphore(%dma_wait3A_531 : memref<!tpu.dma_semaphore, #tpu.memory_space<semaphore_mem>>) src(%dma_wait3A_529 : memref<100001x64xf32, #tpu.memory_space<hbm>>) dst(%dma_wait3A_524 : memref<320x64xf32, #tpu.memory_space<vmem>>)
      %dma_start3A_532 = arith.constant 0 : i32
      %dma_start3A_533 = arith.constant 0 : i32
      %dma_start3A_534 = arith.constant 0 : i32
      %dma_start3A_535 = arith.constant 0 : i32
      %dma_start3A_536 = tpu.memref_slice %arg20[%dma_start3A_532, %dma_start3A_534, %dma_start3A_535] : memref<2x320x64xf32, #tpu.memory_space<vmem>> -> memref<1x320x64xf32, #tpu.memory_space<vmem>>
      %dma_start3A_537 = tpu.memref_squeeze %dma_start3A_536 : memref<1x320x64xf32, #tpu.memory_space<vmem>> -> memref<320x64xf32, #tpu.memory_space<vmem>>
      %dma_start3A_538 = arith.constant 256 : i32
      %dma_start3A_539 = tpu.memref_slice %arg17[%add3A_11, %dma_start3A_538] : memref<204800x448xf32, #tpu.memory_space<hbm>> -> memref<320x64xf32, #tpu.memory_space<hbm>>
      %dma_start3A_540 = tpu.memref_slice %arg22[%dma_start3A_533] : memref<2x!tpu.dma_semaphore, #tpu.memory_space<semaphore_mem>> -> memref<1x!tpu.dma_semaphore, #tpu.memory_space<semaphore_mem>>
      %dma_start3A_541 = tpu.memref_squeeze %dma_start3A_540 : memref<1x!tpu.dma_semaphore, #tpu.memory_space<semaphore_mem>> -> memref<!tpu.dma_semaphore, #tpu.memory_space<semaphore_mem>>
      %dma_start3A_542 = arith.constant 256 : i32
      %dma_start3A_543 = tpu.memref_slice %arg17[%add3A_11, %dma_start3A_542] : memref<204800x448xf32, #tpu.memory_space<hbm>> -> memref<320x64xf32, #tpu.memory_space<hbm>>
      %dma_start3A_544 = arith.constant 0 : i32
      %dma_start3A_545 = arith.constant 0 : i32
      %dma_start3A_546 = tpu.memref_slice %arg20[%dma_start3A_532, %dma_start3A_544, %dma_start3A_545] : memref<2x320x64xf32, #tpu.memory_space<vmem>> -> memref<1x320x64xf32, #tpu.memory_space<vmem>>
      %dma_start3A_547 = tpu.memref_squeeze %dma_start3A_546 : memref<1x320x64xf32, #tpu.memory_space<vmem>> -> memref<320x64xf32, #tpu.memory_space<vmem>>
      tpu.enqueue_dma source(%dma_start3A_547 : memref<320x64xf32, #tpu.memory_space<vmem>>) target(%dma_start3A_543 : memref<320x64xf32, #tpu.memory_space<hbm>>) target_semaphore(%dma_start3A_541 : memref<!tpu.dma_semaphore, #tpu.memory_space<semaphore_mem>>)
      %dma_wait3A_548 = arith.constant 0 : i32
      %dma_wait3A_549 = arith.constant 0 : i32
      %dma_wait3A_550 = arith.constant 0 : i32
      %dma_wait3A_551 = arith.constant 0 : i32
      %dma_wait3A_552 = tpu.memref_slice %arg20[%dma_wait3A_548, %dma_wait3A_550, %dma_wait3A_551] : memref<2x320x64xf32, #tpu.memory_space<vmem>> -> memref<1x320x64xf32, #tpu.memory_space<vmem>>
      %dma_wait3A_553 = tpu.memref_squeeze %dma_wait3A_552 : memref<1x320x64xf32, #tpu.memory_space<vmem>> -> memref<320x64xf32, #tpu.memory_space<vmem>>
      %dma_wait3A_554 = arith.constant 256 : i32
      %dma_wait3A_555 = tpu.memref_slice %arg17[%add3A_11, %dma_wait3A_554] : memref<204800x448xf32, #tpu.memory_space<hbm>> -> memref<320x64xf32, #tpu.memory_space<hbm>>
      %dma_wait3A_556 = tpu.memref_slice %arg22[%dma_wait3A_549] : memref<2x!tpu.dma_semaphore, #tpu.memory_space<semaphore_mem>> -> memref<1x!tpu.dma_semaphore, #tpu.memory_space<semaphore_mem>>
      %dma_wait3A_557 = tpu.memref_squeeze %dma_wait3A_556 : memref<1x!tpu.dma_semaphore, #tpu.memory_space<semaphore_mem>> -> memref<!tpu.dma_semaphore, #tpu.memory_space<semaphore_mem>>
      %dma_wait3A_558 = arith.constant 256 : i32
      %dma_wait3A_559 = tpu.memref_slice %arg17[%add3A_11, %dma_wait3A_558] : memref<204800x448xf32, #tpu.memory_space<hbm>> -> memref<320x64xf32, #tpu.memory_space<hbm>>
      %dma_wait3A_560 = arith.constant 0 : i32
      %dma_wait3A_561 = arith.constant 0 : i32
      %dma_wait3A_562 = tpu.memref_slice %arg20[%dma_wait3A_548, %dma_wait3A_560, %dma_wait3A_561] : memref<2x320x64xf32, #tpu.memory_space<vmem>> -> memref<1x320x64xf32, #tpu.memory_space<vmem>>
      %dma_wait3A_563 = tpu.memref_squeeze %dma_wait3A_562 : memref<1x320x64xf32, #tpu.memory_space<vmem>> -> memref<320x64xf32, #tpu.memory_space<vmem>>
      tpu.wait_dma2 semaphore(%dma_wait3A_557 : memref<!tpu.dma_semaphore, #tpu.memory_space<semaphore_mem>>) src(%dma_wait3A_563 : memref<320x64xf32, #tpu.memory_space<vmem>>) dst(%dma_wait3A_559 : memref<320x64xf32, #tpu.memory_space<hbm>>)
      %dma_start3A_564 = arith.constant 5 : i32
      %dma_start3A_565 = arith.constant 0 : i32
      %dma_start3A_566 = arith.constant 0 : i32
      %dma_start3A_567 = arith.constant 0 : i32
      %dma_start3A_568 = arith.constant 0 : i32
      %dma_start3A_569 = tpu.memref_slice %arg20[%dma_start3A_565, %dma_start3A_567, %dma_start3A_568] : memref<2x320x64xf32, #tpu.memory_space<vmem>> -> memref<1x320x64xf32, #tpu.memory_space<vmem>>
      %dma_start3A_570 = tpu.memref_squeeze %dma_start3A_569 : memref<1x320x64xf32, #tpu.memory_space<vmem>> -> memref<320x64xf32, #tpu.memory_space<vmem>>
      %dma_start3A_571 = tpu.memref_slice %arg19[%dma_start3A_564, %mul3A_10] : memref<7x6400xi32, #tpu.memory_space<vmem>> -> memref<1x320xi32, #tpu.memory_space<vmem>>
      %dma_start3A_572 = tpu.memref_squeeze %dma_start3A_571 : memref<1x320xi32, #tpu.memory_space<vmem>> -> memref<320xi32, #tpu.memory_space<vmem>>
      %dma_start3A_573 = arith.constant 0 : i32
      %dma_start3A_574 = arith.constant 0 : i32
      %dma_start3A_575 = tpu.memref_slice %arg13[%dma_start3A_573, %dma_start3A_574] : memref<100001x64xf32, #tpu.memory_space<hbm>> -> memref<100001x64xf32, #tpu.memory_space<hbm>>
      %dma_start3A_576 = tpu.memref_slice %arg21[%dma_start3A_566] : memref<2x!tpu.dma_semaphore, #tpu.memory_space<semaphore_mem>> -> memref<1x!tpu.dma_semaphore, #tpu.memory_space<semaphore_mem>>
      %dma_start3A_577 = tpu.memref_squeeze %dma_start3A_576 : memref<1x!tpu.dma_semaphore, #tpu.memory_space<semaphore_mem>> -> memref<!tpu.dma_semaphore, #tpu.memory_space<semaphore_mem>>
      tpu.enqueue_indirect_dma source(%dma_start3A_575 : memref<100001x64xf32, #tpu.memory_space<hbm>>) target(%dma_start3A_570 : memref<320x64xf32, #tpu.memory_space<vmem>>) offsets(%dma_start3A_572 : memref<320xi32, #tpu.memory_space<vmem>>) semaphore(%dma_start3A_577 : memref<!tpu.dma_semaphore, #tpu.memory_space<semaphore_mem>>)
      %dma_wait3A_578 = arith.constant 4 : i32
      %dma_wait3A_579 = arith.constant 1 : i32
      %dma_wait3A_580 = arith.constant 1 : i32
      %dma_wait3A_581 = arith.constant 0 : i32
      %dma_wait3A_582 = arith.constant 0 : i32
      %dma_wait3A_583 = tpu.memref_slice %arg20[%dma_wait3A_579, %dma_wait3A_581, %dma_wait3A_582] : memref<2x320x64xf32, #tpu.memory_space<vmem>> -> memref<1x320x64xf32, #tpu.memory_space<vmem>>
      %dma_wait3A_584 = tpu.memref_squeeze %dma_wait3A_583 : memref<1x320x64xf32, #tpu.memory_space<vmem>> -> memref<320x64xf32, #tpu.memory_space<vmem>>
      %dma_wait3A_585 = tpu.memref_slice %arg19[%dma_wait3A_578, %mul3A_10] : memref<7x6400xi32, #tpu.memory_space<vmem>> -> memref<1x320xi32, #tpu.memory_space<vmem>>
      %dma_wait3A_586 = tpu.memref_squeeze %dma_wait3A_585 : memref<1x320xi32, #tpu.memory_space<vmem>> -> memref<320xi32, #tpu.memory_space<vmem>>
      %dma_wait3A_587 = arith.constant 0 : i32
      %dma_wait3A_588 = arith.constant 0 : i32
      %dma_wait3A_589 = tpu.memref_slice %arg12[%dma_wait3A_587, %dma_wait3A_588] : memref<100001x64xf32, #tpu.memory_space<hbm>> -> memref<100001x64xf32, #tpu.memory_space<hbm>>
      %dma_wait3A_590 = tpu.memref_slice %arg21[%dma_wait3A_580] : memref<2x!tpu.dma_semaphore, #tpu.memory_space<semaphore_mem>> -> memref<1x!tpu.dma_semaphore, #tpu.memory_space<semaphore_mem>>
      %dma_wait3A_591 = tpu.memref_squeeze %dma_wait3A_590 : memref<1x!tpu.dma_semaphore, #tpu.memory_space<semaphore_mem>> -> memref<!tpu.dma_semaphore, #tpu.memory_space<semaphore_mem>>
      tpu.wait_indirect_dma semaphore(%dma_wait3A_591 : memref<!tpu.dma_semaphore, #tpu.memory_space<semaphore_mem>>) src(%dma_wait3A_589 : memref<100001x64xf32, #tpu.memory_space<hbm>>) dst(%dma_wait3A_584 : memref<320x64xf32, #tpu.memory_space<vmem>>)
      %dma_start3A_592 = arith.constant 1 : i32
      %dma_start3A_593 = arith.constant 1 : i32
      %dma_start3A_594 = arith.constant 0 : i32
      %dma_start3A_595 = arith.constant 0 : i32
      %dma_start3A_596 = tpu.memref_slice %arg20[%dma_start3A_592, %dma_start3A_594, %dma_start3A_595] : memref<2x320x64xf32, #tpu.memory_space<vmem>> -> memref<1x320x64xf32, #tpu.memory_space<vmem>>
      %dma_start3A_597 = tpu.memref_squeeze %dma_start3A_596 : memref<1x320x64xf32, #tpu.memory_space<vmem>> -> memref<320x64xf32, #tpu.memory_space<vmem>>
      %dma_start3A_598 = arith.constant 256 : i32
      %dma_start3A_599 = tpu.memref_slice %arg18[%add3A_11, %dma_start3A_598] : memref<204800x448xf32, #tpu.memory_space<hbm>> -> memref<320x64xf32, #tpu.memory_space<hbm>>
      %dma_start3A_600 = tpu.memref_slice %arg22[%dma_start3A_593] : memref<2x!tpu.dma_semaphore, #tpu.memory_space<semaphore_mem>> -> memref<1x!tpu.dma_semaphore, #tpu.memory_space<semaphore_mem>>
      %dma_start3A_601 = tpu.memref_squeeze %dma_start3A_600 : memref<1x!tpu.dma_semaphore, #tpu.memory_space<semaphore_mem>> -> memref<!tpu.dma_semaphore, #tpu.memory_space<semaphore_mem>>
      %dma_start3A_602 = arith.constant 256 : i32
      %dma_start3A_603 = tpu.memref_slice %arg18[%add3A_11, %dma_start3A_602] : memref<204800x448xf32, #tpu.memory_space<hbm>> -> memref<320x64xf32, #tpu.memory_space<hbm>>
      %dma_start3A_604 = arith.constant 0 : i32
      %dma_start3A_605 = arith.constant 0 : i32
      %dma_start3A_606 = tpu.memref_slice %arg20[%dma_start3A_592, %dma_start3A_604, %dma_start3A_605] : memref<2x320x64xf32, #tpu.memory_space<vmem>> -> memref<1x320x64xf32, #tpu.memory_space<vmem>>
      %dma_start3A_607 = tpu.memref_squeeze %dma_start3A_606 : memref<1x320x64xf32, #tpu.memory_space<vmem>> -> memref<320x64xf32, #tpu.memory_space<vmem>>
      tpu.enqueue_dma source(%dma_start3A_607 : memref<320x64xf32, #tpu.memory_space<vmem>>) target(%dma_start3A_603 : memref<320x64xf32, #tpu.memory_space<hbm>>) target_semaphore(%dma_start3A_601 : memref<!tpu.dma_semaphore, #tpu.memory_space<semaphore_mem>>)
      %dma_wait3A_608 = arith.constant 1 : i32
      %dma_wait3A_609 = arith.constant 1 : i32
      %dma_wait3A_610 = arith.constant 0 : i32
      %dma_wait3A_611 = arith.constant 0 : i32
      %dma_wait3A_612 = tpu.memref_slice %arg20[%dma_wait3A_608, %dma_wait3A_610, %dma_wait3A_611] : memref<2x320x64xf32, #tpu.memory_space<vmem>> -> memref<1x320x64xf32, #tpu.memory_space<vmem>>
      %dma_wait3A_613 = tpu.memref_squeeze %dma_wait3A_612 : memref<1x320x64xf32, #tpu.memory_space<vmem>> -> memref<320x64xf32, #tpu.memory_space<vmem>>
      %dma_wait3A_614 = arith.constant 256 : i32
      %dma_wait3A_615 = tpu.memref_slice %arg18[%add3A_11, %dma_wait3A_614] : memref<204800x448xf32, #tpu.memory_space<hbm>> -> memref<320x64xf32, #tpu.memory_space<hbm>>
      %dma_wait3A_616 = tpu.memref_slice %arg22[%dma_wait3A_609] : memref<2x!tpu.dma_semaphore, #tpu.memory_space<semaphore_mem>> -> memref<1x!tpu.dma_semaphore, #tpu.memory_space<semaphore_mem>>
      %dma_wait3A_617 = tpu.memref_squeeze %dma_wait3A_616 : memref<1x!tpu.dma_semaphore, #tpu.memory_space<semaphore_mem>> -> memref<!tpu.dma_semaphore, #tpu.memory_space<semaphore_mem>>
      %dma_wait3A_618 = arith.constant 256 : i32
      %dma_wait3A_619 = tpu.memref_slice %arg18[%add3A_11, %dma_wait3A_618] : memref<204800x448xf32, #tpu.memory_space<hbm>> -> memref<320x64xf32, #tpu.memory_space<hbm>>
      %dma_wait3A_620 = arith.constant 0 : i32
      %dma_wait3A_621 = arith.constant 0 : i32
      %dma_wait3A_622 = tpu.memref_slice %arg20[%dma_wait3A_608, %dma_wait3A_620, %dma_wait3A_621] : memref<2x320x64xf32, #tpu.memory_space<vmem>> -> memref<1x320x64xf32, #tpu.memory_space<vmem>>
      %dma_wait3A_623 = tpu.memref_squeeze %dma_wait3A_622 : memref<1x320x64xf32, #tpu.memory_space<vmem>> -> memref<320x64xf32, #tpu.memory_space<vmem>>
      tpu.wait_dma2 semaphore(%dma_wait3A_617 : memref<!tpu.dma_semaphore, #tpu.memory_space<semaphore_mem>>) src(%dma_wait3A_623 : memref<320x64xf32, #tpu.memory_space<vmem>>) dst(%dma_wait3A_619 : memref<320x64xf32, #tpu.memory_space<hbm>>)
      %dma_start3A_624 = arith.constant 5 : i32
      %dma_start3A_625 = arith.constant 1 : i32
      %dma_start3A_626 = arith.constant 1 : i32
      %dma_start3A_627 = arith.constant 0 : i32
      %dma_start3A_628 = arith.constant 0 : i32
      %dma_start3A_629 = tpu.memref_slice %arg20[%dma_start3A_625, %dma_start3A_627, %dma_start3A_628] : memref<2x320x64xf32, #tpu.memory_space<vmem>> -> memref<1x320x64xf32, #tpu.memory_space<vmem>>
      %dma_start3A_630 = tpu.memref_squeeze %dma_start3A_629 : memref<1x320x64xf32, #tpu.memory_space<vmem>> -> memref<320x64xf32, #tpu.memory_space<vmem>>
      %dma_start3A_631 = tpu.memref_slice %arg19[%dma_start3A_624, %mul3A_10] : memref<7x6400xi32, #tpu.memory_space<vmem>> -> memref<1x320xi32, #tpu.memory_space<vmem>>
      %dma_start3A_632 = tpu.memref_squeeze %dma_start3A_631 : memref<1x320xi32, #tpu.memory_space<vmem>> -> memref<320xi32, #tpu.memory_space<vmem>>
      %dma_start3A_633 = arith.constant 0 : i32
      %dma_start3A_634 = arith.constant 0 : i32
      %dma_start3A_635 = tpu.memref_slice %arg14[%dma_start3A_633, %dma_start3A_634] : memref<100001x64xf32, #tpu.memory_space<hbm>> -> memref<100001x64xf32, #tpu.memory_space<hbm>>
      %dma_start3A_636 = tpu.memref_slice %arg21[%dma_start3A_626] : memref<2x!tpu.dma_semaphore, #tpu.memory_space<semaphore_mem>> -> memref<1x!tpu.dma_semaphore, #tpu.memory_space<semaphore_mem>>
      %dma_start3A_637 = tpu.memref_squeeze %dma_start3A_636 : memref<1x!tpu.dma_semaphore, #tpu.memory_space<semaphore_mem>> -> memref<!tpu.dma_semaphore, #tpu.memory_space<semaphore_mem>>
      tpu.enqueue_indirect_dma source(%dma_start3A_635 : memref<100001x64xf32, #tpu.memory_space<hbm>>) target(%dma_start3A_630 : memref<320x64xf32, #tpu.memory_space<vmem>>) offsets(%dma_start3A_632 : memref<320xi32, #tpu.memory_space<vmem>>) semaphore(%dma_start3A_637 : memref<!tpu.dma_semaphore, #tpu.memory_space<semaphore_mem>>)
      %dma_wait3A_638 = arith.constant 5 : i32
      %dma_wait3A_639 = arith.constant 0 : i32
      %dma_wait3A_640 = arith.constant 0 : i32
      %dma_wait3A_641 = arith.constant 0 : i32
      %dma_wait3A_642 = arith.constant 0 : i32
      %dma_wait3A_643 = tpu.memref_slice %arg20[%dma_wait3A_639, %dma_wait3A_641, %dma_wait3A_642] : memref<2x320x64xf32, #tpu.memory_space<vmem>> -> memref<1x320x64xf32, #tpu.memory_space<vmem>>
      %dma_wait3A_644 = tpu.memref_squeeze %dma_wait3A_643 : memref<1x320x64xf32, #tpu.memory_space<vmem>> -> memref<320x64xf32, #tpu.memory_space<vmem>>
      %dma_wait3A_645 = tpu.memref_slice %arg19[%dma_wait3A_638, %mul3A_10] : memref<7x6400xi32, #tpu.memory_space<vmem>> -> memref<1x320xi32, #tpu.memory_space<vmem>>
      %dma_wait3A_646 = tpu.memref_squeeze %dma_wait3A_645 : memref<1x320xi32, #tpu.memory_space<vmem>> -> memref<320xi32, #tpu.memory_space<vmem>>
      %dma_wait3A_647 = arith.constant 0 : i32
      %dma_wait3A_648 = arith.constant 0 : i32
      %dma_wait3A_649 = tpu.memref_slice %arg13[%dma_wait3A_647, %dma_wait3A_648] : memref<100001x64xf32, #tpu.memory_space<hbm>> -> memref<100001x64xf32, #tpu.memory_space<hbm>>
      %dma_wait3A_650 = tpu.memref_slice %arg21[%dma_wait3A_640] : memref<2x!tpu.dma_semaphore, #tpu.memory_space<semaphore_mem>> -> memref<1x!tpu.dma_semaphore, #tpu.memory_space<semaphore_mem>>
      %dma_wait3A_651 = tpu.memref_squeeze %dma_wait3A_650 : memref<1x!tpu.dma_semaphore, #tpu.memory_space<semaphore_mem>> -> memref<!tpu.dma_semaphore, #tpu.memory_space<semaphore_mem>>
      tpu.wait_indirect_dma semaphore(%dma_wait3A_651 : memref<!tpu.dma_semaphore, #tpu.memory_space<semaphore_mem>>) src(%dma_wait3A_649 : memref<100001x64xf32, #tpu.memory_space<hbm>>) dst(%dma_wait3A_644 : memref<320x64xf32, #tpu.memory_space<vmem>>)
      %dma_start3A_652 = arith.constant 0 : i32
      %dma_start3A_653 = arith.constant 0 : i32
      %dma_start3A_654 = arith.constant 0 : i32
      %dma_start3A_655 = arith.constant 0 : i32
      %dma_start3A_656 = tpu.memref_slice %arg20[%dma_start3A_652, %dma_start3A_654, %dma_start3A_655] : memref<2x320x64xf32, #tpu.memory_space<vmem>> -> memref<1x320x64xf32, #tpu.memory_space<vmem>>
      %dma_start3A_657 = tpu.memref_squeeze %dma_start3A_656 : memref<1x320x64xf32, #tpu.memory_space<vmem>> -> memref<320x64xf32, #tpu.memory_space<vmem>>
      %dma_start3A_658 = arith.constant 320 : i32
      %dma_start3A_659 = tpu.memref_slice %arg17[%add3A_11, %dma_start3A_658] : memref<204800x448xf32, #tpu.memory_space<hbm>> -> memref<320x64xf32, #tpu.memory_space<hbm>>
      %dma_start3A_660 = tpu.memref_slice %arg22[%dma_start3A_653] : memref<2x!tpu.dma_semaphore, #tpu.memory_space<semaphore_mem>> -> memref<1x!tpu.dma_semaphore, #tpu.memory_space<semaphore_mem>>
      %dma_start3A_661 = tpu.memref_squeeze %dma_start3A_660 : memref<1x!tpu.dma_semaphore, #tpu.memory_space<semaphore_mem>> -> memref<!tpu.dma_semaphore, #tpu.memory_space<semaphore_mem>>
      %dma_start3A_662 = arith.constant 320 : i32
      %dma_start3A_663 = tpu.memref_slice %arg17[%add3A_11, %dma_start3A_662] : memref<204800x448xf32, #tpu.memory_space<hbm>> -> memref<320x64xf32, #tpu.memory_space<hbm>>
      %dma_start3A_664 = arith.constant 0 : i32
      %dma_start3A_665 = arith.constant 0 : i32
      %dma_start3A_666 = tpu.memref_slice %arg20[%dma_start3A_652, %dma_start3A_664, %dma_start3A_665] : memref<2x320x64xf32, #tpu.memory_space<vmem>> -> memref<1x320x64xf32, #tpu.memory_space<vmem>>
      %dma_start3A_667 = tpu.memref_squeeze %dma_start3A_666 : memref<1x320x64xf32, #tpu.memory_space<vmem>> -> memref<320x64xf32, #tpu.memory_space<vmem>>
      tpu.enqueue_dma source(%dma_start3A_667 : memref<320x64xf32, #tpu.memory_space<vmem>>) target(%dma_start3A_663 : memref<320x64xf32, #tpu.memory_space<hbm>>) target_semaphore(%dma_start3A_661 : memref<!tpu.dma_semaphore, #tpu.memory_space<semaphore_mem>>)
      %dma_wait3A_668 = arith.constant 0 : i32
      %dma_wait3A_669 = arith.constant 0 : i32
      %dma_wait3A_670 = arith.constant 0 : i32
      %dma_wait3A_671 = arith.constant 0 : i32
      %dma_wait3A_672 = tpu.memref_slice %arg20[%dma_wait3A_668, %dma_wait3A_670, %dma_wait3A_671] : memref<2x320x64xf32, #tpu.memory_space<vmem>> -> memref<1x320x64xf32, #tpu.memory_space<vmem>>
      %dma_wait3A_673 = tpu.memref_squeeze %dma_wait3A_672 : memref<1x320x64xf32, #tpu.memory_space<vmem>> -> memref<320x64xf32, #tpu.memory_space<vmem>>
      %dma_wait3A_674 = arith.constant 320 : i32
      %dma_wait3A_675 = tpu.memref_slice %arg17[%add3A_11, %dma_wait3A_674] : memref<204800x448xf32, #tpu.memory_space<hbm>> -> memref<320x64xf32, #tpu.memory_space<hbm>>
      %dma_wait3A_676 = tpu.memref_slice %arg22[%dma_wait3A_669] : memref<2x!tpu.dma_semaphore, #tpu.memory_space<semaphore_mem>> -> memref<1x!tpu.dma_semaphore, #tpu.memory_space<semaphore_mem>>
      %dma_wait3A_677 = tpu.memref_squeeze %dma_wait3A_676 : memref<1x!tpu.dma_semaphore, #tpu.memory_space<semaphore_mem>> -> memref<!tpu.dma_semaphore, #tpu.memory_space<semaphore_mem>>
      %dma_wait3A_678 = arith.constant 320 : i32
      %dma_wait3A_679 = tpu.memref_slice %arg17[%add3A_11, %dma_wait3A_678] : memref<204800x448xf32, #tpu.memory_space<hbm>> -> memref<320x64xf32, #tpu.memory_space<hbm>>
      %dma_wait3A_680 = arith.constant 0 : i32
      %dma_wait3A_681 = arith.constant 0 : i32
      %dma_wait3A_682 = tpu.memref_slice %arg20[%dma_wait3A_668, %dma_wait3A_680, %dma_wait3A_681] : memref<2x320x64xf32, #tpu.memory_space<vmem>> -> memref<1x320x64xf32, #tpu.memory_space<vmem>>
      %dma_wait3A_683 = tpu.memref_squeeze %dma_wait3A_682 : memref<1x320x64xf32, #tpu.memory_space<vmem>> -> memref<320x64xf32, #tpu.memory_space<vmem>>
      tpu.wait_dma2 semaphore(%dma_wait3A_677 : memref<!tpu.dma_semaphore, #tpu.memory_space<semaphore_mem>>) src(%dma_wait3A_683 : memref<320x64xf32, #tpu.memory_space<vmem>>) dst(%dma_wait3A_679 : memref<320x64xf32, #tpu.memory_space<hbm>>)
      %dma_start3A_684 = arith.constant 6 : i32
      %dma_start3A_685 = arith.constant 0 : i32
      %dma_start3A_686 = arith.constant 0 : i32
      %dma_start3A_687 = arith.constant 0 : i32
      %dma_start3A_688 = arith.constant 0 : i32
      %dma_start3A_689 = tpu.memref_slice %arg20[%dma_start3A_685, %dma_start3A_687, %dma_start3A_688] : memref<2x320x64xf32, #tpu.memory_space<vmem>> -> memref<1x320x64xf32, #tpu.memory_space<vmem>>
      %dma_start3A_690 = tpu.memref_squeeze %dma_start3A_689 : memref<1x320x64xf32, #tpu.memory_space<vmem>> -> memref<320x64xf32, #tpu.memory_space<vmem>>
      %dma_start3A_691 = tpu.memref_slice %arg19[%dma_start3A_684, %mul3A_10] : memref<7x6400xi32, #tpu.memory_space<vmem>> -> memref<1x320xi32, #tpu.memory_space<vmem>>
      %dma_start3A_692 = tpu.memref_squeeze %dma_start3A_691 : memref<1x320xi32, #tpu.memory_space<vmem>> -> memref<320xi32, #tpu.memory_space<vmem>>
      %dma_start3A_693 = arith.constant 0 : i32
      %dma_start3A_694 = arith.constant 0 : i32
      %dma_start3A_695 = tpu.memref_slice %arg15[%dma_start3A_693, %dma_start3A_694] : memref<100001x64xf32, #tpu.memory_space<hbm>> -> memref<100001x64xf32, #tpu.memory_space<hbm>>
      %dma_start3A_696 = tpu.memref_slice %arg21[%dma_start3A_686] : memref<2x!tpu.dma_semaphore, #tpu.memory_space<semaphore_mem>> -> memref<1x!tpu.dma_semaphore, #tpu.memory_space<semaphore_mem>>
      %dma_start3A_697 = tpu.memref_squeeze %dma_start3A_696 : memref<1x!tpu.dma_semaphore, #tpu.memory_space<semaphore_mem>> -> memref<!tpu.dma_semaphore, #tpu.memory_space<semaphore_mem>>
      tpu.enqueue_indirect_dma source(%dma_start3A_695 : memref<100001x64xf32, #tpu.memory_space<hbm>>) target(%dma_start3A_690 : memref<320x64xf32, #tpu.memory_space<vmem>>) offsets(%dma_start3A_692 : memref<320xi32, #tpu.memory_space<vmem>>) semaphore(%dma_start3A_697 : memref<!tpu.dma_semaphore, #tpu.memory_space<semaphore_mem>>)
      %dma_wait3A_698 = arith.constant 5 : i32
      %dma_wait3A_699 = arith.constant 1 : i32
      %dma_wait3A_700 = arith.constant 1 : i32
      %dma_wait3A_701 = arith.constant 0 : i32
      %dma_wait3A_702 = arith.constant 0 : i32
      %dma_wait3A_703 = tpu.memref_slice %arg20[%dma_wait3A_699, %dma_wait3A_701, %dma_wait3A_702] : memref<2x320x64xf32, #tpu.memory_space<vmem>> -> memref<1x320x64xf32, #tpu.memory_space<vmem>>
      %dma_wait3A_704 = tpu.memref_squeeze %dma_wait3A_703 : memref<1x320x64xf32, #tpu.memory_space<vmem>> -> memref<320x64xf32, #tpu.memory_space<vmem>>
      %dma_wait3A_705 = tpu.memref_slice %arg19[%dma_wait3A_698, %mul3A_10] : memref<7x6400xi32, #tpu.memory_space<vmem>> -> memref<1x320xi32, #tpu.memory_space<vmem>>
      %dma_wait3A_706 = tpu.memref_squeeze %dma_wait3A_705 : memref<1x320xi32, #tpu.memory_space<vmem>> -> memref<320xi32, #tpu.memory_space<vmem>>
      %dma_wait3A_707 = arith.constant 0 : i32
      %dma_wait3A_708 = arith.constant 0 : i32
      %dma_wait3A_709 = tpu.memref_slice %arg14[%dma_wait3A_707, %dma_wait3A_708] : memref<100001x64xf32, #tpu.memory_space<hbm>> -> memref<100001x64xf32, #tpu.memory_space<hbm>>
      %dma_wait3A_710 = tpu.memref_slice %arg21[%dma_wait3A_700] : memref<2x!tpu.dma_semaphore, #tpu.memory_space<semaphore_mem>> -> memref<1x!tpu.dma_semaphore, #tpu.memory_space<semaphore_mem>>
      %dma_wait3A_711 = tpu.memref_squeeze %dma_wait3A_710 : memref<1x!tpu.dma_semaphore, #tpu.memory_space<semaphore_mem>> -> memref<!tpu.dma_semaphore, #tpu.memory_space<semaphore_mem>>
      tpu.wait_indirect_dma semaphore(%dma_wait3A_711 : memref<!tpu.dma_semaphore, #tpu.memory_space<semaphore_mem>>) src(%dma_wait3A_709 : memref<100001x64xf32, #tpu.memory_space<hbm>>) dst(%dma_wait3A_704 : memref<320x64xf32, #tpu.memory_space<vmem>>)
      %dma_start3A_712 = arith.constant 1 : i32
      %dma_start3A_713 = arith.constant 1 : i32
      %dma_start3A_714 = arith.constant 0 : i32
      %dma_start3A_715 = arith.constant 0 : i32
      %dma_start3A_716 = tpu.memref_slice %arg20[%dma_start3A_712, %dma_start3A_714, %dma_start3A_715] : memref<2x320x64xf32, #tpu.memory_space<vmem>> -> memref<1x320x64xf32, #tpu.memory_space<vmem>>
      %dma_start3A_717 = tpu.memref_squeeze %dma_start3A_716 : memref<1x320x64xf32, #tpu.memory_space<vmem>> -> memref<320x64xf32, #tpu.memory_space<vmem>>
      %dma_start3A_718 = arith.constant 320 : i32
      %dma_start3A_719 = tpu.memref_slice %arg18[%add3A_11, %dma_start3A_718] : memref<204800x448xf32, #tpu.memory_space<hbm>> -> memref<320x64xf32, #tpu.memory_space<hbm>>
      %dma_start3A_720 = tpu.memref_slice %arg22[%dma_start3A_713] : memref<2x!tpu.dma_semaphore, #tpu.memory_space<semaphore_mem>> -> memref<1x!tpu.dma_semaphore, #tpu.memory_space<semaphore_mem>>
      %dma_start3A_721 = tpu.memref_squeeze %dma_start3A_720 : memref<1x!tpu.dma_semaphore, #tpu.memory_space<semaphore_mem>> -> memref<!tpu.dma_semaphore, #tpu.memory_space<semaphore_mem>>
      %dma_start3A_722 = arith.constant 320 : i32
      %dma_start3A_723 = tpu.memref_slice %arg18[%add3A_11, %dma_start3A_722] : memref<204800x448xf32, #tpu.memory_space<hbm>> -> memref<320x64xf32, #tpu.memory_space<hbm>>
      %dma_start3A_724 = arith.constant 0 : i32
      %dma_start3A_725 = arith.constant 0 : i32
      %dma_start3A_726 = tpu.memref_slice %arg20[%dma_start3A_712, %dma_start3A_724, %dma_start3A_725] : memref<2x320x64xf32, #tpu.memory_space<vmem>> -> memref<1x320x64xf32, #tpu.memory_space<vmem>>
      %dma_start3A_727 = tpu.memref_squeeze %dma_start3A_726 : memref<1x320x64xf32, #tpu.memory_space<vmem>> -> memref<320x64xf32, #tpu.memory_space<vmem>>
      tpu.enqueue_dma source(%dma_start3A_727 : memref<320x64xf32, #tpu.memory_space<vmem>>) target(%dma_start3A_723 : memref<320x64xf32, #tpu.memory_space<hbm>>) target_semaphore(%dma_start3A_721 : memref<!tpu.dma_semaphore, #tpu.memory_space<semaphore_mem>>)
      %dma_wait3A_728 = arith.constant 1 : i32
      %dma_wait3A_729 = arith.constant 1 : i32
      %dma_wait3A_730 = arith.constant 0 : i32
      %dma_wait3A_731 = arith.constant 0 : i32
      %dma_wait3A_732 = tpu.memref_slice %arg20[%dma_wait3A_728, %dma_wait3A_730, %dma_wait3A_731] : memref<2x320x64xf32, #tpu.memory_space<vmem>> -> memref<1x320x64xf32, #tpu.memory_space<vmem>>
      %dma_wait3A_733 = tpu.memref_squeeze %dma_wait3A_732 : memref<1x320x64xf32, #tpu.memory_space<vmem>> -> memref<320x64xf32, #tpu.memory_space<vmem>>
      %dma_wait3A_734 = arith.constant 320 : i32
      %dma_wait3A_735 = tpu.memref_slice %arg18[%add3A_11, %dma_wait3A_734] : memref<204800x448xf32, #tpu.memory_space<hbm>> -> memref<320x64xf32, #tpu.memory_space<hbm>>
      %dma_wait3A_736 = tpu.memref_slice %arg22[%dma_wait3A_729] : memref<2x!tpu.dma_semaphore, #tpu.memory_space<semaphore_mem>> -> memref<1x!tpu.dma_semaphore, #tpu.memory_space<semaphore_mem>>
      %dma_wait3A_737 = tpu.memref_squeeze %dma_wait3A_736 : memref<1x!tpu.dma_semaphore, #tpu.memory_space<semaphore_mem>> -> memref<!tpu.dma_semaphore, #tpu.memory_space<semaphore_mem>>
      %dma_wait3A_738 = arith.constant 320 : i32
      %dma_wait3A_739 = tpu.memref_slice %arg18[%add3A_11, %dma_wait3A_738] : memref<204800x448xf32, #tpu.memory_space<hbm>> -> memref<320x64xf32, #tpu.memory_space<hbm>>
      %dma_wait3A_740 = arith.constant 0 : i32
      %dma_wait3A_741 = arith.constant 0 : i32
      %dma_wait3A_742 = tpu.memref_slice %arg20[%dma_wait3A_728, %dma_wait3A_740, %dma_wait3A_741] : memref<2x320x64xf32, #tpu.memory_space<vmem>> -> memref<1x320x64xf32, #tpu.memory_space<vmem>>
      %dma_wait3A_743 = tpu.memref_squeeze %dma_wait3A_742 : memref<1x320x64xf32, #tpu.memory_space<vmem>> -> memref<320x64xf32, #tpu.memory_space<vmem>>
      tpu.wait_dma2 semaphore(%dma_wait3A_737 : memref<!tpu.dma_semaphore, #tpu.memory_space<semaphore_mem>>) src(%dma_wait3A_743 : memref<320x64xf32, #tpu.memory_space<vmem>>) dst(%dma_wait3A_739 : memref<320x64xf32, #tpu.memory_space<hbm>>)
      %dma_start3A_744 = arith.constant 6 : i32
      %dma_start3A_745 = arith.constant 1 : i32
      %dma_start3A_746 = arith.constant 1 : i32
      %dma_start3A_747 = arith.constant 0 : i32
      %dma_start3A_748 = arith.constant 0 : i32
      %dma_start3A_749 = tpu.memref_slice %arg20[%dma_start3A_745, %dma_start3A_747, %dma_start3A_748] : memref<2x320x64xf32, #tpu.memory_space<vmem>> -> memref<1x320x64xf32, #tpu.memory_space<vmem>>
      %dma_start3A_750 = tpu.memref_squeeze %dma_start3A_749 : memref<1x320x64xf32, #tpu.memory_space<vmem>> -> memref<320x64xf32, #tpu.memory_space<vmem>>
      %dma_start3A_751 = tpu.memref_slice %arg19[%dma_start3A_744, %mul3A_10] : memref<7x6400xi32, #tpu.memory_space<vmem>> -> memref<1x320xi32, #tpu.memory_space<vmem>>
      %dma_start3A_752 = tpu.memref_squeeze %dma_start3A_751 : memref<1x320xi32, #tpu.memory_space<vmem>> -> memref<320xi32, #tpu.memory_space<vmem>>
      %dma_start3A_753 = arith.constant 0 : i32
      %dma_start3A_754 = arith.constant 0 : i32
      %dma_start3A_755 = tpu.memref_slice %arg16[%dma_start3A_753, %dma_start3A_754] : memref<100001x64xf32, #tpu.memory_space<hbm>> -> memref<100001x64xf32, #tpu.memory_space<hbm>>
      %dma_start3A_756 = tpu.memref_slice %arg21[%dma_start3A_746] : memref<2x!tpu.dma_semaphore, #tpu.memory_space<semaphore_mem>> -> memref<1x!tpu.dma_semaphore, #tpu.memory_space<semaphore_mem>>
      %dma_start3A_757 = tpu.memref_squeeze %dma_start3A_756 : memref<1x!tpu.dma_semaphore, #tpu.memory_space<semaphore_mem>> -> memref<!tpu.dma_semaphore, #tpu.memory_space<semaphore_mem>>
      tpu.enqueue_indirect_dma source(%dma_start3A_755 : memref<100001x64xf32, #tpu.memory_space<hbm>>) target(%dma_start3A_750 : memref<320x64xf32, #tpu.memory_space<vmem>>) offsets(%dma_start3A_752 : memref<320xi32, #tpu.memory_space<vmem>>) semaphore(%dma_start3A_757 : memref<!tpu.dma_semaphore, #tpu.memory_space<semaphore_mem>>)
      %dma_wait3A_758 = arith.constant 6 : i32
      %dma_wait3A_759 = arith.constant 0 : i32
      %dma_wait3A_760 = arith.constant 0 : i32
      %dma_wait3A_761 = arith.constant 0 : i32
      %dma_wait3A_762 = arith.constant 0 : i32
      %dma_wait3A_763 = tpu.memref_slice %arg20[%dma_wait3A_759, %dma_wait3A_761, %dma_wait3A_762] : memref<2x320x64xf32, #tpu.memory_space<vmem>> -> memref<1x320x64xf32, #tpu.memory_space<vmem>>
      %dma_wait3A_764 = tpu.memref_squeeze %dma_wait3A_763 : memref<1x320x64xf32, #tpu.memory_space<vmem>> -> memref<320x64xf32, #tpu.memory_space<vmem>>
      %dma_wait3A_765 = tpu.memref_slice %arg19[%dma_wait3A_758, %mul3A_10] : memref<7x6400xi32, #tpu.memory_space<vmem>> -> memref<1x320xi32, #tpu.memory_space<vmem>>
      %dma_wait3A_766 = tpu.memref_squeeze %dma_wait3A_765 : memref<1x320xi32, #tpu.memory_space<vmem>> -> memref<320xi32, #tpu.memory_space<vmem>>
      %dma_wait3A_767 = arith.constant 0 : i32
      %dma_wait3A_768 = arith.constant 0 : i32
      %dma_wait3A_769 = tpu.memref_slice %arg15[%dma_wait3A_767, %dma_wait3A_768] : memref<100001x64xf32, #tpu.memory_space<hbm>> -> memref<100001x64xf32, #tpu.memory_space<hbm>>
      %dma_wait3A_770 = tpu.memref_slice %arg21[%dma_wait3A_760] : memref<2x!tpu.dma_semaphore, #tpu.memory_space<semaphore_mem>> -> memref<1x!tpu.dma_semaphore, #tpu.memory_space<semaphore_mem>>
      %dma_wait3A_771 = tpu.memref_squeeze %dma_wait3A_770 : memref<1x!tpu.dma_semaphore, #tpu.memory_space<semaphore_mem>> -> memref<!tpu.dma_semaphore, #tpu.memory_space<semaphore_mem>>
      tpu.wait_indirect_dma semaphore(%dma_wait3A_771 : memref<!tpu.dma_semaphore, #tpu.memory_space<semaphore_mem>>) src(%dma_wait3A_769 : memref<100001x64xf32, #tpu.memory_space<hbm>>) dst(%dma_wait3A_764 : memref<320x64xf32, #tpu.memory_space<vmem>>)
      %dma_start3A_772 = arith.constant 0 : i32
      %dma_start3A_773 = arith.constant 0 : i32
      %dma_start3A_774 = arith.constant 0 : i32
      %dma_start3A_775 = arith.constant 0 : i32
      %dma_start3A_776 = tpu.memref_slice %arg20[%dma_start3A_772, %dma_start3A_774, %dma_start3A_775] : memref<2x320x64xf32, #tpu.memory_space<vmem>> -> memref<1x320x64xf32, #tpu.memory_space<vmem>>
      %dma_start3A_777 = tpu.memref_squeeze %dma_start3A_776 : memref<1x320x64xf32, #tpu.memory_space<vmem>> -> memref<320x64xf32, #tpu.memory_space<vmem>>
      %dma_start3A_778 = arith.constant 384 : i32
      %dma_start3A_779 = tpu.memref_slice %arg17[%add3A_11, %dma_start3A_778] : memref<204800x448xf32, #tpu.memory_space<hbm>> -> memref<320x64xf32, #tpu.memory_space<hbm>>
      %dma_start3A_780 = tpu.memref_slice %arg22[%dma_start3A_773] : memref<2x!tpu.dma_semaphore, #tpu.memory_space<semaphore_mem>> -> memref<1x!tpu.dma_semaphore, #tpu.memory_space<semaphore_mem>>
      %dma_start3A_781 = tpu.memref_squeeze %dma_start3A_780 : memref<1x!tpu.dma_semaphore, #tpu.memory_space<semaphore_mem>> -> memref<!tpu.dma_semaphore, #tpu.memory_space<semaphore_mem>>
      %dma_start3A_782 = arith.constant 384 : i32
      %dma_start3A_783 = tpu.memref_slice %arg17[%add3A_11, %dma_start3A_782] : memref<204800x448xf32, #tpu.memory_space<hbm>> -> memref<320x64xf32, #tpu.memory_space<hbm>>
      %dma_start3A_784 = arith.constant 0 : i32
      %dma_start3A_785 = arith.constant 0 : i32
      %dma_start3A_786 = tpu.memref_slice %arg20[%dma_start3A_772, %dma_start3A_784, %dma_start3A_785] : memref<2x320x64xf32, #tpu.memory_space<vmem>> -> memref<1x320x64xf32, #tpu.memory_space<vmem>>
      %dma_start3A_787 = tpu.memref_squeeze %dma_start3A_786 : memref<1x320x64xf32, #tpu.memory_space<vmem>> -> memref<320x64xf32, #tpu.memory_space<vmem>>
      tpu.enqueue_dma source(%dma_start3A_787 : memref<320x64xf32, #tpu.memory_space<vmem>>) target(%dma_start3A_783 : memref<320x64xf32, #tpu.memory_space<hbm>>) target_semaphore(%dma_start3A_781 : memref<!tpu.dma_semaphore, #tpu.memory_space<semaphore_mem>>)
      %dma_wait3A_788 = arith.constant 6 : i32
      %dma_wait3A_789 = arith.constant 1 : i32
      %dma_wait3A_790 = arith.constant 1 : i32
      %dma_wait3A_791 = arith.constant 0 : i32
      %dma_wait3A_792 = arith.constant 0 : i32
      %dma_wait3A_793 = tpu.memref_slice %arg20[%dma_wait3A_789, %dma_wait3A_791, %dma_wait3A_792] : memref<2x320x64xf32, #tpu.memory_space<vmem>> -> memref<1x320x64xf32, #tpu.memory_space<vmem>>
      %dma_wait3A_794 = tpu.memref_squeeze %dma_wait3A_793 : memref<1x320x64xf32, #tpu.memory_space<vmem>> -> memref<320x64xf32, #tpu.memory_space<vmem>>
      %dma_wait3A_795 = tpu.memref_slice %arg19[%dma_wait3A_788, %mul3A_10] : memref<7x6400xi32, #tpu.memory_space<vmem>> -> memref<1x320xi32, #tpu.memory_space<vmem>>
      %dma_wait3A_796 = tpu.memref_squeeze %dma_wait3A_795 : memref<1x320xi32, #tpu.memory_space<vmem>> -> memref<320xi32, #tpu.memory_space<vmem>>
      %dma_wait3A_797 = arith.constant 0 : i32
      %dma_wait3A_798 = arith.constant 0 : i32
      %dma_wait3A_799 = tpu.memref_slice %arg16[%dma_wait3A_797, %dma_wait3A_798] : memref<100001x64xf32, #tpu.memory_space<hbm>> -> memref<100001x64xf32, #tpu.memory_space<hbm>>
      %dma_wait3A_800 = tpu.memref_slice %arg21[%dma_wait3A_790] : memref<2x!tpu.dma_semaphore, #tpu.memory_space<semaphore_mem>> -> memref<1x!tpu.dma_semaphore, #tpu.memory_space<semaphore_mem>>
      %dma_wait3A_801 = tpu.memref_squeeze %dma_wait3A_800 : memref<1x!tpu.dma_semaphore, #tpu.memory_space<semaphore_mem>> -> memref<!tpu.dma_semaphore, #tpu.memory_space<semaphore_mem>>
      tpu.wait_indirect_dma semaphore(%dma_wait3A_801 : memref<!tpu.dma_semaphore, #tpu.memory_space<semaphore_mem>>) src(%dma_wait3A_799 : memref<100001x64xf32, #tpu.memory_space<hbm>>) dst(%dma_wait3A_794 : memref<320x64xf32, #tpu.memory_space<vmem>>)
      %dma_start3A_802 = arith.constant 1 : i32
      %dma_start3A_803 = arith.constant 1 : i32
      %dma_start3A_804 = arith.constant 0 : i32
      %dma_start3A_805 = arith.constant 0 : i32
      %dma_start3A_806 = tpu.memref_slice %arg20[%dma_start3A_802, %dma_start3A_804, %dma_start3A_805] : memref<2x320x64xf32, #tpu.memory_space<vmem>> -> memref<1x320x64xf32, #tpu.memory_space<vmem>>
      %dma_start3A_807 = tpu.memref_squeeze %dma_start3A_806 : memref<1x320x64xf32, #tpu.memory_space<vmem>> -> memref<320x64xf32, #tpu.memory_space<vmem>>
      %dma_start3A_808 = arith.constant 384 : i32
      %dma_start3A_809 = tpu.memref_slice %arg18[%add3A_11, %dma_start3A_808] : memref<204800x448xf32, #tpu.memory_space<hbm>> -> memref<320x64xf32, #tpu.memory_space<hbm>>
      %dma_start3A_810 = tpu.memref_slice %arg22[%dma_start3A_803] : memref<2x!tpu.dma_semaphore, #tpu.memory_space<semaphore_mem>> -> memref<1x!tpu.dma_semaphore, #tpu.memory_space<semaphore_mem>>
      %dma_start3A_811 = tpu.memref_squeeze %dma_start3A_810 : memref<1x!tpu.dma_semaphore, #tpu.memory_space<semaphore_mem>> -> memref<!tpu.dma_semaphore, #tpu.memory_space<semaphore_mem>>
      %dma_start3A_812 = arith.constant 384 : i32
      %dma_start3A_813 = tpu.memref_slice %arg18[%add3A_11, %dma_start3A_812] : memref<204800x448xf32, #tpu.memory_space<hbm>> -> memref<320x64xf32, #tpu.memory_space<hbm>>
      %dma_start3A_814 = arith.constant 0 : i32
      %dma_start3A_815 = arith.constant 0 : i32
      %dma_start3A_816 = tpu.memref_slice %arg20[%dma_start3A_802, %dma_start3A_814, %dma_start3A_815] : memref<2x320x64xf32, #tpu.memory_space<vmem>> -> memref<1x320x64xf32, #tpu.memory_space<vmem>>
      %dma_start3A_817 = tpu.memref_squeeze %dma_start3A_816 : memref<1x320x64xf32, #tpu.memory_space<vmem>> -> memref<320x64xf32, #tpu.memory_space<vmem>>
      tpu.enqueue_dma source(%dma_start3A_817 : memref<320x64xf32, #tpu.memory_space<vmem>>) target(%dma_start3A_813 : memref<320x64xf32, #tpu.memory_space<hbm>>) target_semaphore(%dma_start3A_811 : memref<!tpu.dma_semaphore, #tpu.memory_space<semaphore_mem>>)
      %dma_wait3A_818 = arith.constant 0 : i32
      %dma_wait3A_819 = arith.constant 0 : i32
      %dma_wait3A_820 = arith.constant 0 : i32
      %dma_wait3A_821 = arith.constant 0 : i32
      %dma_wait3A_822 = tpu.memref_slice %arg20[%dma_wait3A_818, %dma_wait3A_820, %dma_wait3A_821] : memref<2x320x64xf32, #tpu.memory_space<vmem>> -> memref<1x320x64xf32, #tpu.memory_space<vmem>>
      %dma_wait3A_823 = tpu.memref_squeeze %dma_wait3A_822 : memref<1x320x64xf32, #tpu.memory_space<vmem>> -> memref<320x64xf32, #tpu.memory_space<vmem>>
      %dma_wait3A_824 = arith.constant 384 : i32
      %dma_wait3A_825 = tpu.memref_slice %arg17[%add3A_11, %dma_wait3A_824] : memref<204800x448xf32, #tpu.memory_space<hbm>> -> memref<320x64xf32, #tpu.memory_space<hbm>>
      %dma_wait3A_826 = tpu.memref_slice %arg22[%dma_wait3A_819] : memref<2x!tpu.dma_semaphore, #tpu.memory_space<semaphore_mem>> -> memref<1x!tpu.dma_semaphore, #tpu.memory_space<semaphore_mem>>
      %dma_wait3A_827 = tpu.memref_squeeze %dma_wait3A_826 : memref<1x!tpu.dma_semaphore, #tpu.memory_space<semaphore_mem>> -> memref<!tpu.dma_semaphore, #tpu.memory_space<semaphore_mem>>
      %dma_wait3A_828 = arith.constant 384 : i32
      %dma_wait3A_829 = tpu.memref_slice %arg17[%add3A_11, %dma_wait3A_828] : memref<204800x448xf32, #tpu.memory_space<hbm>> -> memref<320x64xf32, #tpu.memory_space<hbm>>
      %dma_wait3A_830 = arith.constant 0 : i32
      %dma_wait3A_831 = arith.constant 0 : i32
      %dma_wait3A_832 = tpu.memref_slice %arg20[%dma_wait3A_818, %dma_wait3A_830, %dma_wait3A_831] : memref<2x320x64xf32, #tpu.memory_space<vmem>> -> memref<1x320x64xf32, #tpu.memory_space<vmem>>
      %dma_wait3A_833 = tpu.memref_squeeze %dma_wait3A_832 : memref<1x320x64xf32, #tpu.memory_space<vmem>> -> memref<320x64xf32, #tpu.memory_space<vmem>>
      tpu.wait_dma2 semaphore(%dma_wait3A_827 : memref<!tpu.dma_semaphore, #tpu.memory_space<semaphore_mem>>) src(%dma_wait3A_833 : memref<320x64xf32, #tpu.memory_space<vmem>>) dst(%dma_wait3A_829 : memref<320x64xf32, #tpu.memory_space<hbm>>)
      %dma_wait3A_834 = arith.constant 1 : i32
      %dma_wait3A_835 = arith.constant 1 : i32
      %dma_wait3A_836 = arith.constant 0 : i32
      %dma_wait3A_837 = arith.constant 0 : i32
      %dma_wait3A_838 = tpu.memref_slice %arg20[%dma_wait3A_834, %dma_wait3A_836, %dma_wait3A_837] : memref<2x320x64xf32, #tpu.memory_space<vmem>> -> memref<1x320x64xf32, #tpu.memory_space<vmem>>
      %dma_wait3A_839 = tpu.memref_squeeze %dma_wait3A_838 : memref<1x320x64xf32, #tpu.memory_space<vmem>> -> memref<320x64xf32, #tpu.memory_space<vmem>>
      %dma_wait3A_840 = arith.constant 384 : i32
      %dma_wait3A_841 = tpu.memref_slice %arg18[%add3A_11, %dma_wait3A_840] : memref<204800x448xf32, #tpu.memory_space<hbm>> -> memref<320x64xf32, #tpu.memory_space<hbm>>
      %dma_wait3A_842 = tpu.memref_slice %arg22[%dma_wait3A_835] : memref<2x!tpu.dma_semaphore, #tpu.memory_space<semaphore_mem>> -> memref<1x!tpu.dma_semaphore, #tpu.memory_space<semaphore_mem>>
      %dma_wait3A_843 = tpu.memref_squeeze %dma_wait3A_842 : memref<1x!tpu.dma_semaphore, #tpu.memory_space<semaphore_mem>> -> memref<!tpu.dma_semaphore, #tpu.memory_space<semaphore_mem>>
      %dma_wait3A_844 = arith.constant 384 : i32
      %dma_wait3A_845 = tpu.memref_slice %arg18[%add3A_11, %dma_wait3A_844] : memref<204800x448xf32, #tpu.memory_space<hbm>> -> memref<320x64xf32, #tpu.memory_space<hbm>>
      %dma_wait3A_846 = arith.constant 0 : i32
      %dma_wait3A_847 = arith.constant 0 : i32
      %dma_wait3A_848 = tpu.memref_slice %arg20[%dma_wait3A_834, %dma_wait3A_846, %dma_wait3A_847] : memref<2x320x64xf32, #tpu.memory_space<vmem>> -> memref<1x320x64xf32, #tpu.memory_space<vmem>>
      %dma_wait3A_849 = tpu.memref_squeeze %dma_wait3A_848 : memref<1x320x64xf32, #tpu.memory_space<vmem>> -> memref<320x64xf32, #tpu.memory_space<vmem>>
      tpu.wait_dma2 semaphore(%dma_wait3A_843 : memref<!tpu.dma_semaphore, #tpu.memory_space<semaphore_mem>>) src(%dma_wait3A_849 : memref<320x64xf32, #tpu.memory_space<vmem>>) dst(%dma_wait3A_845 : memref<320x64xf32, #tpu.memory_space<hbm>>)
    }
    %scan3A_7 = arith.constant 20 : i32
    return
  }
}

</mosaic_0001>

<sc_bundles>
// kernel: _sc_gather.3.cloned.1.call-start
scs
__scs_entry_jumppad:
0x0: {  	(pc) =	sbr.rel $0x88, $3  }
0x1: {  	(tag) =	ssettag $0x0;
	lr =	simm.s32 $0x1  }
0x2: {  	[smem:$0x3F92] =	sst lr;
	_ =	strace $0xD0000000  }
0x3: {  	_ = 	snop  }
0x4: {  	_ = 	snop  }
0x5: {  	_ = 	snop  }
0x6: {  	_ = 	snop  }
0x7: {  	_ = 	snop  }
__scs_overlays_trampoline_lowered:
0x8: {  	[smem:$0x3FA1] =	sst s0  }
0x9: {  	[smem:$0x3FA2] =	sst s1  }
0xa: {  	[smem:$0x3FA3] =	sst s2  }
0xb: {  	[smem:$0x3FA4] =	sst s3  }
0xc: {  	[smem:$0x3FA5] =	sst s4  }
0xd: {  	[smem:$0x3FA6] =	sst s5  }
0xe: {  	[smem:$0x3FA7] =	sst s6  }
0xf: {  	[smem:$0x3FA8] =	sst s7  }
0x10: {  	[smem:$0x3FA9] =	sst s8  }
0x11: {  	[smem:$0x3FAA] =	sst s9;
	s0 =	simm.s32 @!p0 $0x0  }
0x12: {  	s1 =	sld [smem:$0x3F90];
	s0 =	simm.s32 @p0 $0x1  }
0x13: {  	[smem:$0x3FAB] =	sst s0;
	s0 =	simm.s32 @!p1 $0x0  }
0x14: {  	s2 =	sld [smem:$0x3F8F];
	s0 =	simm.s32 @p1 $0x1  }
0x15: {  	[smem:$0x3FAC] =	sst s0;
	s0 =	simm.s32 @!p2 $0x0  }
0x16: {  	s3 =	sld [smem:$0x3FDB];
	s0 =	simm.s32 @p2 $0x1  }
0x17: {  	s4 =	simm.s32 $0x1BF5;
	[smem:$0x3FAE] =	sst s0  }
0x18: {  	s0 =	sld [smem:$0x3F91];
	_ =	swait.ge [sflag:s4], $0x0  }
0x19: {  	s7 =	sld [smem:$0x3F92]  }
0x1a: {  	s8 =	sadd.s32 $0xFFFFE003, lr  }
0x1b: {  	s9 =	sadd.s32 $0xFFFFFEF7, lr;
	s5 =	simm.s32 $0xFFFFFFFF;
	p2 =	slt.u32 s8, $0xFFFFF086  }
0x1c: {  	p1 =	slt.u32 s9, $0xF7A;
	s5 =	simm.s32 @!p2 $0x0  }
0x1d: {  	s5 =	simm.s32 @p1 $0x1;
	p0 =	seq.s32 s7, s2  }
0x1e: {  	s7 =	smul.u32 @!p0 $0xF7A, s2;
	p2 =	seq.s32 @!p0 s5, $0x0  }
0x1f: {  	s9 =	smul.u32 $0xF7A, s1;
	s8 =	simm.s32 @!p0 $0x1BF5;
	p2 =	por !p2, p0  }
0x20: {  	[sflag:s8] =	ssyncset.s32 @!p0 $0xFFFFF086;
	s6 =	sadd.s32 @!p0 s3, s7;
	s7 =	simm.s32 @!p0 $0x108  }
0x21: {  	s3 =	sadd.s32 s3, s9;
	s6 =	sadd.s32 @!p0 $0x88, s6;
	s7 =	simm.s32 @p2 $0x1082  }
0x22: {  	[simem:s7], [sflag:s8] =	dma.local @!p0 [hbm:s6], $0xF7A  }
0x23: {  	s9 =	sor.u32 $0xD0000000, s2;
	s6 =	simm.s32 $0x108;
	_ =	swait.ge @!p0 [sflag:s8], $0x0  }
0x24: {  	s3 =	sadd.s32 $0x88, s3;
	s6 =	simm.s32 @!p1 $0x1082;
	[sflag:s4] =	ssyncset.s32 $0xFFFFF086  }
0x25: {  	[simem:s6], [sflag:s4] =	dma.local [hbm:s3], $0xF7A  }
0x26: {  	[smem:$0x3F92] =	sst s1;
	(tag) =	ssettag s2;
	_ =	strace s9  }
0x27: {  	s1 =	sld [smem:$0x3FA2]  }
0x28: {  	s2 =	sld [smem:$0x3FA3]  }
0x29: {  	s4 =	sld [smem:$0x3FA5]  }
0x2a: {  	p0 =	seq.s32 s5, $0x0;
	s5 =	sld [smem:$0x3FA6]  }
0x2b: {  	s6 =	sld [smem:$0x3FA7]  }
0x2c: {  	s7 =	sld [smem:$0x3FA8]  }
0x2d: {  	s3 =	simm.s32 $0x108;
	s8 =	sld [smem:$0x3FA9]  }
0x2e: {  	s3 =	simm.s32 @!p0 $0x1082;
	s9 =	sld [smem:$0x3FAA]  }
0x2f: {  	lr =	sadd.s32 s0, s3;
	s0 =	sld [smem:$0x3FA1]  }
0x30: {  	s3 =	sld [smem:$0x3FA4]  }
0x31: {  	[smem:$0x3FAD] =	sst s10  }
0x32: {  	s10 =	sld [smem:$0x3FAB];
	_ =	sdelay $0x3  }
0x33: {  	p0 =	seq.s32 s10, $0x1;
	s10 =	sld [smem:$0x3FAD];
	_ =	sdelay $0x3  }
0x34: {  	[smem:$0x3FAD] =	sst s10  }
0x35: {  	s10 =	sld [smem:$0x3FAC];
	_ =	sdelay $0x3  }
0x36: {  	p1 =	seq.s32 s10, $0x1;
	s10 =	sld [smem:$0x3FAD];
	_ =	sdelay $0x3  }
0x37: {  	[smem:$0x3FAD] =	sst s10  }
0x38: {  	s10 =	sld [smem:$0x3FAE]  }
0x39: {  	_ = 	snop;
	(pc) =	sbr.ind lr, $3  }
0x3a: {  	_ = 	snop  }
0x3b: {  	_ = 	snop  }
0x3c: {  	p2 =	seq.s32 s10, $0x1;
	s10 =	sld [smem:$0x3FAD]  }
0x3d: {  	_ =	shalt  }
0x3e: {  	_ =	shalt  }
0x3f: {  	_ =	shalt  }
0x40: {  	_ =	shalt  }
0x41: {  	_ =	shalt  }
0x42: {  	_ =	shalt  }
0x43: {  	_ =	shalt  }
0x44: {  	_ =	shalt  }
0x45: {  	_ =	shalt  }
0x46: {  	_ =	shalt  }
0x47: {  	_ =	shalt  }
0x48: {  	_ =	shalt  }
0x49: {  	_ =	shalt  }
0x4a: {  	_ =	shalt  }
0x4b: {  	_ =	shalt  }
0x4c: {  	_ =	shalt  }
0x4d: {  	_ =	shalt  }
0x4e: {  	_ =	shalt  }
0x4f: {  	_ =	shalt  }
0x50: {  	_ =	shalt  }
0x51: {  	_ =	shalt  }
0x52: {  	_ =	shalt  }
0x53: {  	_ =	shalt  }
0x54: {  	_ =	shalt  }
0x55: {  	_ =	shalt  }
0x56: {  	_ =	shalt  }
0x57: {  	_ =	shalt  }
0x58: {  	_ =	shalt  }
0x59: {  	_ =	shalt  }
0x5a: {  	_ =	shalt  }
0x5b: {  	_ =	shalt  }
0x5c: {  	_ =	shalt  }
0x5d: {  	_ =	shalt  }
0x5e: {  	_ =	shalt  }
0x5f: {  	_ =	shalt  }
0x60: {  	_ =	shalt  }
0x61: {  	_ =	shalt  }
0x62: {  	_ =	shalt  }
0x63: {  	_ =	shalt  }
0x64: {  	_ =	shalt  }
0x65: {  	_ =	shalt  }
0x66: {  	_ =	shalt  }
0x67: {  	_ =	shalt  }
0x68: {  	_ =	shalt  }
0x69: {  	_ =	shalt  }
0x6a: {  	_ =	shalt  }
0x6b: {  	_ =	shalt  }
0x6c: {  	_ =	shalt  }
0x6d: {  	_ =	shalt  }
0x6e: {  	_ =	shalt  }
0x6f: {  	_ =	shalt  }
0x70: {  	_ =	shalt  }
0x71: {  	_ =	shalt  }
0x72: {  	_ =	shalt  }
0x73: {  	_ =	shalt  }
0x74: {  	_ =	shalt  }
0x75: {  	_ =	shalt  }
0x76: {  	_ =	shalt  }
0x77: {  	_ =	shalt  }
0x78: {  	_ =	shalt  }
0x79: {  	_ =	shalt  }
0x7a: {  	_ =	shalt  }
0x7b: {  	_ =	shalt  }
0x7c: {  	_ =	shalt  }
0x7d: {  	_ =	shalt  }
0x7e: {  	_ =	shalt  }
0x7f: {  	_ =	shalt  }
0x80: {  	_ =	shalt  }
0x81: {  	_ =	shalt  }
0x82: {  	_ =	shalt  }
0x83: {  	_ =	shalt  }
0x84: {  	_ =	shalt  }
0x85: {  	_ =	shalt  }
0x86: {  	_ =	shalt  }
0x87: {  	_ =	shalt  }
.Lfunc_end0:
.L_simem_size_0:
called_computation.2_lowered:
.L_overlay_start_0:
0x88: {  	s2 =	sld [smem:$0x3FD9]  }
0x89: {  	s3 =	sld [smem:$0x3FFE];
	_ =	sdelay $0x1  }
0x8a: {  	s1 =	srdreg.scid  }
0x8b: {  	s0 =	sand.u32 $0x1, s1  }
0x8c: {  	s14 =	sshll.u32 s0, $0xA;
	s2 =	sadd.s32 s3, s2  }
0x8d: {  	s2 =	sadd.s32 s2, s14  }
0x8e: {  	[smem:$0x3FB9] =	sst s2  }
0x8f: {  	_ = 	snop  }
0x90: {  	s2 =	sld [smem:$0x3FD0];
	_ =	sdelay $0x2  }
0x91: {  	s15 =	simm.s32 $0xB;
	s4 =	simm.s32 $0x10  }
0x92: {  	[smem:s4], [sflag:s15] =	dma.local [hbm:s2], $0x1  }
0x93: {  	_ =	swait.eq [sflag:s15], $0x1  }
0x94: {  	[sflag:s15] =	ssyncset.done $0x0  }
0x95: {  	s16 =	sld [smem:$0x10];
	[sflag:s15] =	ssyncadd.s32 $0xFFFFFFFF  }
0x96: {  	s17 =	sld [smem:$0x11];
	(tm) =	ssettm $0x1  }
0x97: {  	s18 =	sld [smem:$0x3FFB];
	_ =	sdelay $0x3  }
0x98: {  	_ =	strace s18  }
0x99: {  	s4 =	sld [smem:$0x3FFC];
	_ =	sdelay $0x3  }
0x9a: {  	_ =	strace s4  }
0x9b: {  	s4 =	sld [smem:$0x3FFD];
	_ =	sdelay $0x3  }
0x9c: {  	_ =	strace s4  }
0x9d: {  	_ =	strace $0x8FFFFFFF  }
0x9e: {  	s19 =	sld [smem:$0x3FDB];
	_ =	sdelay $0x1  }
0x9f: {  	s5 =	simm.s32 $_scs_section_size  }
0xa0: {  	s6 =	simm.s32 $_size__tile_overlayer_lowered;
	s7 =	simm.s32 $_tile_overlayer_lowered  }
0xa1: {  	s22 =	simm.s32 $0x1BFF;
	s21 =	sshll.u32 s7, $0x1;
	s4 =	sadd.s32 s5, s19  }
0xa2: {  	s8 =	simm.s32 $0x0;
	s20 =	sshll.u32 s6, $0x1;
	s6 =	sadd.s32 s21, s4  }
0xa3: {  	[timem:s8], [sflag:s22] =	dma.local [hbm:s6], s20  }
0xa4: {  	_ =	swait.ge [sflag:s22], s20  }
0xa5: {  	s5 =	ssub.s32 $0x0, s20;
	[sflag:s22] =	ssyncset.done $0x0  }
0xa6: {  	[sflag:s22] =	ssyncadd.s32 s5;
	_ =	sdelay $0x1  }
0xa7: {  	s23 =	simm.s32 $0x1B8B  }
0xa8: {  	_ =	swait.ge [sflag:s23], $0x1  }
0xa9: {  	[sflag:s23] =	ssyncset.done $0x0  }
0xaa: {  	s25 =	simm.s32 $0x1B8E;
	s24 =	sld [smem:$0x3FFE];
	[sflag:s23] =	ssyncadd.s32 $0xFFFFFFFF  }
0xab: {  	s26 =	simm.s32 $execute0_lowered;
	[smem:$0x3FD2] =	sst s25  }
0xac: {  	s6 =	sshll.u32 s26, $0x1;
	_ =	strace $0x80000046;
	[dreg:$0x1] =	wrdreg $0xFFFFFFFF  }
0xad: {  	s28 =	simm.s32 $_size_execute0_lowered;
	s4 =	sadd.s32 s4, s6;
	[dreg:$0x0] =	wrdreg $0x0  }
0xae: {  	s6 =	sshll.u32 s28, $0x1;
	[dreg:$0x2] =	wrdreg s4  }
0xaf: {  	[dreg:$0x3] =	wrdreg s6  }
0xb0: {  	[dreg:$0x4] =	wrdreg $0xC0  }
0xb1: {  	_ =	task [dreg:s8], $0x5FFFF  }
0xb2: {  	[dreg:$0x1] =	wrdreg $0xFFFFFFFF  }
0xb3: {  	[dreg:$0x0] =	wrdreg $0x60  }
0xb4: {  	[dreg:$0x2] =	wrdreg s24  }
0xb5: {  	[dreg:$0x3] =	wrdreg s16  }
0xb6: {  	[dreg:$0x4] =	wrdreg s17  }
0xb7: {  	[dreg:$0x5] =	wrdreg $0x9  }
0xb8: {  	_ =	task.clear_ibuf [dreg:s8], $0x6FFFF;
	_ =	strace $0x90000046  }
0xb9: {  	s29 =	simm.s32 $0x9;
	_ =	strace $0x80000048  }
0xba: {  	_ =	swait.ge [sflag:s29], $0x1  }
0xbb: {  	[sflag:s29] =	ssyncadd.s32 $0xFFFFFFFF  }
0xbc: {  	_ =	strace $0x90000048  }
0xbd: {  	_ =	sfence  }
0xbe: {  	s30 =	sld [smem:$0x0];
	_ =	sdelay $0x2  }
0xbf: {  	s31 =	sshll.u32 s1, $0xD;
	s1 =	sshrl.u32 s1, $0x2  }
0xc0: {  	s3 =	sand.u32 $0x4000, s31;
	s1 =	sadd.s32 s1, s30  }
0xc1: {  	s0 =	sor.u32 s3, s0;
	s1 =	sshll.u32 s1, $0x11  }
0xc2: {  	s0 =	sor.u32 s1, s0  }
0xc3: {  	s0 =	sadd.s32 $0x8F2B, s0  }
0xc4: {  	[sflag:s0] =	ssyncadd.remote.s32 $0x1  }
0xc5: {  	_ =	sfence.sel $0xFFFF  }
0xc6: {  	[dreg:$0x0] =	wrdreg $0xFFFFFFFF;
	(pc) =	sbr.abs _section_cstart, $3  }
0xc7: {  	[dreg:$0x1] =	wrdreg $0xFFFFFFFF  }
0xc8: {  	_ =	task.clear_ibuf [dreg:s8], $0x2FFFF;
	_ =	strace $0x9FFFFFFF  }
0xc9: {  	(tm) =	ssettm $0x7FFFFFFF  }
tec
execute0_lowered:
.L_overlay_start_1:
0x0: {  	(tag) =	ssettag $0x1  }
0x1: {  	s3 =	rddreg [dreg:$0x0]  }
0x2: {  	s5 =	rddreg [dreg:$0x1]  }
0x3: {  	s6 =	rddreg [dreg:$0x2]  }
0x4: {  	s0 =	rddreg [dreg:$0x3];
	s1 =	simm.s32 $0x0  }
0x5: {  	[smem:$0x7FF] =	sst s1;
	s2 =	sadd.s32 $0x3DEA00, s3  }
0x6: {  	s17 =	sadd.s32 $0x31B400, s3;
	_ =	strace $0x80000047;
	[dreg:$0x4] =	wrdreg s2  }
0x7: {  	s18 =	sadd.s32 $0x257E00, s3;
	[dreg:$0x5] =	wrdreg s17  }
0x8: {  	s19 =	sadd.s32 $0x194800, s3;
	[dreg:$0x6] =	wrdreg s18  }
0x9: {  	s7 =	sadd.s32 $0xD1200, s3;
	[dreg:$0x7] =	wrdreg s19  }
0xa: {  	s4 =	srdreg.scid;
	s20 =	sadd.s32 $0xDC00, s3;
	[dreg:$0x8] =	wrdreg s7  }
0xb: {  	s10 =	simm.s32 $0x140;
	s21 =	sadd.s32 $0x9F9A00, s3;
	[dreg:$0x9] =	wrdreg s20  }
0xc: {  	s11 =	simm.s32 $0xAF00;
	s22 =	sadd.s32 $0x936400, s3;
	[dreg:$0xa] =	wrdreg s21  }
0xd: {  	s12 =	simm.s32 $0xFF00;
	s23 =	sadd.s32 $0x872E00, s3;
	[dreg:$0xb] =	wrdreg s22  }
0xe: {  	s13 =	simm.s32 $0x1;
	s24 =	sadd.s32 $0x7AF800, s3;
	[dreg:$0xc] =	wrdreg s23  }
0xf: {  	s14 =	simm.s32 $0x40;
	s25 =	sadd.s32 $0x6EC200, s3;
	[dreg:$0xd] =	wrdreg s24  }
0x10: {  	s15 =	simm.s32 $0x1C0;
	s26 =	sadd.s32 $0x628C00, s3;
	[dreg:$0xe] =	wrdreg s25  }
0x11: {  	s16 =	simm.s32 $0x3;
	s28 =	sadd.s32 $0x565600, s3;
	[dreg:$0xf] =	wrdreg s26  }
0x12: {  	s4 =	sand.u32 $0x1, s4;
	s2 =	stileid.u32;
	[dreg:$0x10] =	wrdreg s28  }
0x13: {  	s29 =	ssub.s32 $0x2, s4;
	s31 =	smul.u32 $0x57800, s4;
	s17 =	simm.s32 $0x2  }
0x14: {  	s18 =	simm.s32 $0x4;
	s8 =	sshll.u32 s2, $0x1;
	s30 =	sshrl.u32 s29, $0x1  }
0x15: {  	s9 =	smul.u32 $0xAF000, s2;
	s8 =	sor.u32 s4, s8;
	s7 =	ssub.s32 s29, s30  }
0x16: {  	s19 =	simm.s32 $0x0;
	s8 =	smul.u32 $0x1900, s8;
	s4 =	smax.u32 s7, $0x1  }
0x17: {  	s5 =	sadd.s32 s9, s5;
	s6 =	sadd.s32 s9, s6;
	s7 =	simm.s32 $0x1900  }
0x18: {  	s9 =	simm.s32 $0x5;
	s5 =	sadd.s32 s31, s5;
	s8 =	sshrl.u32 s8, $0x3  }
0x19: {  	s6 =	sadd.s32 s31, s6;
	s8 =	sadd.s32 s8, s3;
	s3 =	sadd.s32 $0x4A2000, s3  }
0x1a: {  	[dreg:$0x11] =	wrdreg s3;
	s3 =	sadd.s32 $0xABD000, s8;
	s8 =	simm.s32 $0x32000  }
.LBB2_1:
0x1b: {  	[tilespmem:s1], [sflag:$0x5] =	stream.strided.gather [hbm4b:s3+s7], $0xAF00, s8, s7, $0x38;
	[tilespmem:$0x14F00] =	vst v63  }
0x1c: {  	_ =	swait.ge [sflag:s9], $0xAF00  }
0x1d: {  	[sflag:s9] =	ssyncset.done $0x0  }
0x1e: {  	s21 =	simm.s32 $0x0;
	s20 =	rddreg [dreg:$0x4];
	[sflag:s9] =	ssyncadd.s32 $0xFFFF5100  }
0x1f: {  	[tilespmem:s11], [sflag:$0x1] =	stream.indirect.gather [hbm4b:s20+s10], $0x40, s21, s10, $0xb8;
	[tilespmem:$0x14F00] =	vst v63  }
0x20: {  	s22 =	rddreg [dreg:$0x5]  }
0x21: {  	[tilespmem:s12], [sflag:$0x2] =	stream.indirect.gather [hbm4b:s22+s10], $0x40, s21, s10, $0xb8;
	[tilespmem:$0x14F00] =	vst v63  }
0x22: {  	_ =	swait.ge [sflag:s13], $0x5000  }
0x23: {  	[sflag:s13] =	ssyncset.done $0x0  }
0x24: {  	s21 =	sadd.s32 $0x0, s5;
	[sflag:s13] =	ssyncadd.s32 $0xFFFFB000  }
0x25: {  	[hbm4b:s21+s14] =	stream.strided.scatter [tilespmem:s11], [sflag:$0x3], $0x5000, s15, s14, $0x38;
	[tilespmem:$0x14F00] =	vst v63  }
0x26: {  	_ =	swait.ge [sflag:s16], $0x5000  }
0x27: {  	[sflag:s16] =	ssyncset.done $0x0  }
0x28: {  	s23 =	simm.s32 $0x1900;
	s26 =	rddreg [dreg:$0x6];
	[sflag:s16] =	ssyncadd.s32 $0xFFFFB000  }
0x29: {  	[tilespmem:s11], [sflag:$0x1] =	stream.indirect.gather [hbm4b:s26+s10], $0x40, s23, s10, $0xb8;
	[tilespmem:$0x14F00] =	vst v63  }
0x2a: {  	_ =	swait.ge [sflag:s17], $0x5000  }
0x2b: {  	[sflag:s17] =	ssyncset.done $0x0  }
0x2c: {  	s22 =	sadd.s32 $0x0, s6;
	[sflag:s17] =	ssyncadd.s32 $0xFFFFB000  }
0x2d: {  	[hbm4b:s22+s14] =	stream.strided.scatter [tilespmem:s12], [sflag:$0x4], $0x5000, s15, s14, $0x38;
	[tilespmem:$0x14F00] =	vst v63  }
0x2e: {  	_ =	swait.ge [sflag:s18], $0x5000  }
0x2f: {  	[sflag:s18] =	ssyncset.done $0x0  }
0x30: {  	s28 =	rddreg [dreg:$0x7];
	[sflag:s18] =	ssyncadd.s32 $0xFFFFB000  }
0x31: {  	[tilespmem:s12], [sflag:$0x2] =	stream.indirect.gather [hbm4b:s28+s10], $0x40, s23, s10, $0xb8;
	[tilespmem:$0x14F00] =	vst v63  }
0x32: {  	_ =	swait.ge [sflag:s13], $0x5000  }
0x33: {  	[sflag:s13] =	ssyncset.done $0x0  }
0x34: {  	s29 =	sadd.s32 $0x8, s21;
	[sflag:s13] =	ssyncadd.s32 $0xFFFFB000  }
0x35: {  	[hbm4b:s29+s14] =	stream.strided.scatter [tilespmem:s11], [sflag:$0x3], $0x5000, s15, s14, $0x38;
	[tilespmem:$0x14F00] =	vst v63  }
0x36: {  	_ =	swait.ge [sflag:s16], $0x5000  }
0x37: {  	[sflag:s16] =	ssyncset.done $0x0  }
0x38: {  	s31 =	simm.s32 $0x3200;
	s30 =	rddreg [dreg:$0x8];
	[sflag:s16] =	ssyncadd.s32 $0xFFFFB000  }
0x39: {  	[tilespmem:s11], [sflag:$0x1] =	stream.indirect.gather [hbm4b:s30+s10], $0x40, s31, s10, $0xb8;
	[tilespmem:$0x14F00] =	vst v63  }
0x3a: {  	_ =	swait.ge [sflag:s17], $0x5000  }
0x3b: {  	[sflag:s17] =	ssyncset.done $0x0  }
0x3c: {  	s24 =	sadd.s32 $0x8, s22;
	[sflag:s17] =	ssyncadd.s32 $0xFFFFB000  }
0x3d: {  	[hbm4b:s24+s14] =	stream.strided.scatter [tilespmem:s12], [sflag:$0x4], $0x5000, s15, s14, $0x38;
	[tilespmem:$0x14F00] =	vst v63  }
0x3e: {  	_ =	swait.ge [sflag:s18], $0x5000  }
0x3f: {  	[sflag:s18] =	ssyncset.done $0x0  }
0x40: {  	s25 =	rddreg [dreg:$0x9];
	[sflag:s18] =	ssyncadd.s32 $0xFFFFB000  }
0x41: {  	[tilespmem:s12], [sflag:$0x2] =	stream.indirect.gather [hbm4b:s25+s10], $0x40, s31, s10, $0xb8;
	[tilespmem:$0x14F00] =	vst v63  }
0x42: {  	_ =	swait.ge [sflag:s13], $0x5000  }
0x43: {  	[sflag:s13] =	ssyncset.done $0x0  }
0x44: {  	s26 =	sadd.s32 $0x10, s21;
	[sflag:s13] =	ssyncadd.s32 $0xFFFFB000  }
0x45: {  	[hbm4b:s26+s14] =	stream.strided.scatter [tilespmem:s11], [sflag:$0x3], $0x5000, s15, s14, $0x38;
	[tilespmem:$0x14F00] =	vst v63  }
0x46: {  	_ =	swait.ge [sflag:s16], $0x5000  }
0x47: {  	[sflag:s16] =	ssyncset.done $0x0  }
0x48: {  	s29 =	simm.s32 $0x4B00;
	s28 =	rddreg [dreg:$0xa];
	[sflag:s16] =	ssyncadd.s32 $0xFFFFB000  }
0x49: {  	[tilespmem:s11], [sflag:$0x1] =	stream.indirect.gather [hbm4b:s28+s10], $0x40, s29, s10, $0xb8;
	[tilespmem:$0x14F00] =	vst v63  }
0x4a: {  	_ =	swait.ge [sflag:s17], $0x5000  }
0x4b: {  	[sflag:s17] =	ssyncset.done $0x0  }
0x4c: {  	s30 =	sadd.s32 $0x10, s22;
	[sflag:s17] =	ssyncadd.s32 $0xFFFFB000  }
0x4d: {  	[hbm4b:s30+s14] =	stream.strided.scatter [tilespmem:s12], [sflag:$0x4], $0x5000, s15, s14, $0x38;
	[tilespmem:$0x14F00] =	vst v63  }
0x4e: {  	_ =	swait.ge [sflag:s18], $0x5000  }
0x4f: {  	[sflag:s18] =	ssyncset.done $0x0  }
0x50: {  	s31 =	rddreg [dreg:$0xb];
	[sflag:s18] =	ssyncadd.s32 $0xFFFFB000  }
0x51: {  	[tilespmem:s12], [sflag:$0x2] =	stream.indirect.gather [hbm4b:s31+s10], $0x40, s29, s10, $0xb8;
	[tilespmem:$0x14F00] =	vst v63  }
0x52: {  	_ =	swait.ge [sflag:s13], $0x5000  }
0x53: {  	[sflag:s13] =	ssyncset.done $0x0  }
0x54: {  	s23 =	sadd.s32 $0x18, s21;
	[sflag:s13] =	ssyncadd.s32 $0xFFFFB000  }
0x55: {  	[hbm4b:s23+s14] =	stream.strided.scatter [tilespmem:s11], [sflag:$0x3], $0x5000, s15, s14, $0x38;
	[tilespmem:$0x14F00] =	vst v63  }
0x56: {  	_ =	swait.ge [sflag:s16], $0x5000  }
0x57: {  	[sflag:s16] =	ssyncset.done $0x0  }
0x58: {  	s25 =	simm.s32 $0x6400;
	s24 =	rddreg [dreg:$0xc];
	[sflag:s16] =	ssyncadd.s32 $0xFFFFB000  }
0x59: {  	[tilespmem:s11], [sflag:$0x1] =	stream.indirect.gather [hbm4b:s24+s10], $0x40, s25, s10, $0xb8;
	[tilespmem:$0x14F00] =	vst v63  }
0x5a: {  	_ =	swait.ge [sflag:s17], $0x5000  }
0x5b: {  	[sflag:s17] =	ssyncset.done $0x0  }
0x5c: {  	s26 =	sadd.s32 $0x18, s22;
	[sflag:s17] =	ssyncadd.s32 $0xFFFFB000  }
0x5d: {  	[hbm4b:s26+s14] =	stream.strided.scatter [tilespmem:s12], [sflag:$0x4], $0x5000, s15, s14, $0x38;
	[tilespmem:$0x14F00] =	vst v63  }
0x5e: {  	_ =	swait.ge [sflag:s18], $0x5000  }
0x5f: {  	[sflag:s18] =	ssyncset.done $0x0  }
0x60: {  	s28 =	rddreg [dreg:$0xd];
	[sflag:s18] =	ssyncadd.s32 $0xFFFFB000  }
0x61: {  	[tilespmem:s12], [sflag:$0x2] =	stream.indirect.gather [hbm4b:s28+s10], $0x40, s25, s10, $0xb8;
	[tilespmem:$0x14F00] =	vst v63  }
0x62: {  	_ =	swait.ge [sflag:s13], $0x5000  }
0x63: {  	[sflag:s13] =	ssyncset.done $0x0  }
0x64: {  	s29 =	sadd.s32 $0x20, s21;
	[sflag:s13] =	ssyncadd.s32 $0xFFFFB000  }
0x65: {  	[hbm4b:s29+s14] =	stream.strided.scatter [tilespmem:s11], [sflag:$0x3], $0x5000, s15, s14, $0x38;
	[tilespmem:$0x14F00] =	vst v63  }
0x66: {  	_ =	swait.ge [sflag:s16], $0x5000  }
0x67: {  	[sflag:s16] =	ssyncset.done $0x0  }
0x68: {  	s31 =	simm.s32 $0x7D00;
	s30 =	rddreg [dreg:$0xe];
	[sflag:s16] =	ssyncadd.s32 $0xFFFFB000  }
0x69: {  	[tilespmem:s11], [sflag:$0x1] =	stream.indirect.gather [hbm4b:s30+s10], $0x40, s31, s10, $0xb8;
	[tilespmem:$0x14F00] =	vst v63  }
0x6a: {  	_ =	swait.ge [sflag:s17], $0x5000  }
0x6b: {  	[sflag:s17] =	ssyncset.done $0x0  }
0x6c: {  	s24 =	sadd.s32 $0x20, s22;
	[sflag:s17] =	ssyncadd.s32 $0xFFFFB000  }
0x6d: {  	[hbm4b:s24+s14] =	stream.strided.scatter [tilespmem:s12], [sflag:$0x4], $0x5000, s15, s14, $0x38;
	[tilespmem:$0x14F00] =	vst v63  }
0x6e: {  	_ =	swait.ge [sflag:s18], $0x5000  }
0x6f: {  	[sflag:s18] =	ssyncset.done $0x0  }
0x70: {  	s25 =	rddreg [dreg:$0xf];
	[sflag:s18] =	ssyncadd.s32 $0xFFFFB000  }
0x71: {  	[tilespmem:s12], [sflag:$0x2] =	stream.indirect.gather [hbm4b:s25+s10], $0x40, s31, s10, $0xb8;
	[tilespmem:$0x14F00] =	vst v63  }
0x72: {  	_ =	swait.ge [sflag:s13], $0x5000  }
0x73: {  	[sflag:s13] =	ssyncset.done $0x0  }
0x74: {  	s26 =	sadd.s32 $0x28, s21;
	[sflag:s13] =	ssyncadd.s32 $0xFFFFB000  }
0x75: {  	[hbm4b:s26+s14] =	stream.strided.scatter [tilespmem:s11], [sflag:$0x3], $0x5000, s15, s14, $0x38;
	[tilespmem:$0x14F00] =	vst v63  }
0x76: {  	_ =	swait.ge [sflag:s16], $0x5000  }
0x77: {  	[sflag:s16] =	ssyncset.done $0x0  }
0x78: {  	s20 =	simm.s32 $0x9600;
	s28 =	rddreg [dreg:$0x10];
	[sflag:s16] =	ssyncadd.s32 $0xFFFFB000  }
0x79: {  	[tilespmem:s11], [sflag:$0x1] =	stream.indirect.gather [hbm4b:s28+s10], $0x40, s20, s10, $0xb8;
	[tilespmem:$0x14F00] =	vst v63  }
0x7a: {  	_ =	swait.ge [sflag:s17], $0x5000  }
0x7b: {  	[sflag:s17] =	ssyncset.done $0x0  }
0x7c: {  	s29 =	sadd.s32 $0x28, s22;
	[sflag:s17] =	ssyncadd.s32 $0xFFFFB000  }
0x7d: {  	[hbm4b:s29+s14] =	stream.strided.scatter [tilespmem:s12], [sflag:$0x4], $0x5000, s15, s14, $0x38;
	[tilespmem:$0x14F00] =	vst v63  }
0x7e: {  	_ =	swait.ge [sflag:s18], $0x5000  }
0x7f: {  	[sflag:s18] =	ssyncset.done $0x0  }
0x80: {  	s30 =	rddreg [dreg:$0x11];
	[sflag:s18] =	ssyncadd.s32 $0xFFFFB000  }
0x81: {  	[tilespmem:s12], [sflag:$0x2] =	stream.indirect.gather [hbm4b:s30+s10], $0x40, s20, s10, $0xb8;
	[tilespmem:$0x14F00] =	vst v63  }
0x82: {  	_ =	swait.ge [sflag:s13], $0x5000  }
0x83: {  	[sflag:s13] =	ssyncset.done $0x0  }
0x84: {  	s21 =	sadd.s32 $0x30, s21;
	[sflag:s13] =	ssyncadd.s32 $0xFFFFB000  }
0x85: {  	[hbm4b:s21+s14] =	stream.strided.scatter [tilespmem:s11], [sflag:$0x3], $0x5000, s15, s14, $0x38;
	[tilespmem:$0x14F00] =	vst v63  }
0x86: {  	_ =	swait.ge [sflag:s17], $0x5000  }
0x87: {  	[sflag:s17] =	ssyncset.done $0x0  }
0x88: {  	s31 =	sadd.s32 $0x30, s22;
	[sflag:s17] =	ssyncadd.s32 $0xFFFFB000  }
0x89: {  	[hbm4b:s31+s14] =	stream.strided.scatter [tilespmem:s12], [sflag:$0x4], $0x5000, s15, s14, $0x38;
	[tilespmem:$0x14F00] =	vst v63  }
0x8a: {  	_ =	swait.ge [sflag:s16], $0x5000  }
0x8b: {  	[sflag:s16] =	ssyncset.done $0x0  }
0x8c: {  	[sflag:s16] =	ssyncadd.s32 $0xFFFFB000  }
0x8d: {  	s22 =	simm.s32 $0x8C00;
	_ =	swait.ge [sflag:s18], $0x5000  }
0x8e: {  	s21 =	simm.s32 $0x4600;
	s23 =	rddreg [dreg:$0x4];
	[sflag:s18] =	ssyncset.done $0x0  }
.LBB2_2:
0x8f: {  	s20 =	sadd.s32 $0x140, s20  }
0x90: {  	[sflag:s18] =	ssyncadd.s32 $0xFFFFB000;
	s24 =	sadd.s32 $0xFFFF6A00, s20  }
0x91: {  	[tilespmem:s11], [sflag:$0x1] =	stream.indirect.gather [hbm4b:s23+s10], $0x40, s24, s10, $0xb8;
	[tilespmem:$0x14F00] =	vst v63  }
0x92: {  	s26 =	rddreg [dreg:$0x5]  }
0x93: {  	[tilespmem:s12], [sflag:$0x2] =	stream.indirect.gather [hbm4b:s26+s10], $0x40, s24, s10, $0xb8;
	[tilespmem:$0x14F00] =	vst v63  }
0x94: {  	_ =	swait.ge [sflag:s13], $0x5000  }
0x95: {  	[sflag:s13] =	ssyncset.done $0x0  }
0x96: {  	s23 =	sadd.s32 s21, s5;
	[sflag:s13] =	ssyncadd.s32 $0xFFFFB000  }
0x97: {  	[hbm4b:s23+s14] =	stream.strided.scatter [tilespmem:s11], [sflag:$0x3], $0x5000, s15, s14, $0x38;
	[tilespmem:$0x14F00] =	vst v63  }
0x98: {  	_ =	swait.ge [sflag:s16], $0x5000  }
0x99: {  	[sflag:s16] =	ssyncset.done $0x0  }
0x9a: {  	s30 =	sadd.s32 $0xFFFF8300, s20;
	s29 =	rddreg [dreg:$0x6];
	[sflag:s16] =	ssyncadd.s32 $0xFFFFB000  }
0x9b: {  	[tilespmem:s11], [sflag:$0x1] =	stream.indirect.gather [hbm4b:s29+s10], $0x40, s30, s10, $0xb8;
	[tilespmem:$0x14F00] =	vst v63  }
0x9c: {  	_ =	swait.ge [sflag:s17], $0x5000  }
0x9d: {  	[sflag:s17] =	ssyncset.done $0x0  }
0x9e: {  	s24 =	sadd.s32 s21, s6;
	[sflag:s17] =	ssyncadd.s32 $0xFFFFB000  }
0x9f: {  	[hbm4b:s24+s14] =	stream.strided.scatter [tilespmem:s12], [sflag:$0x4], $0x5000, s15, s14, $0x38;
	[tilespmem:$0x14F00] =	vst v63  }
0xa0: {  	_ =	swait.ge [sflag:s18], $0x5000  }
0xa1: {  	[sflag:s18] =	ssyncset.done $0x0  }
0xa2: {  	s31 =	rddreg [dreg:$0x7];
	[sflag:s18] =	ssyncadd.s32 $0xFFFFB000  }
0xa3: {  	[tilespmem:s12], [sflag:$0x2] =	stream.indirect.gather [hbm4b:s31+s10], $0x40, s30, s10, $0xb8;
	[tilespmem:$0x14F00] =	vst v63  }
0xa4: {  	_ =	swait.ge [sflag:s13], $0x5000  }
0xa5: {  	[sflag:s13] =	ssyncset.done $0x0  }
0xa6: {  	s26 =	sadd.s32 $0x8, s23;
	[sflag:s13] =	ssyncadd.s32 $0xFFFFB000  }
0xa7: {  	[hbm4b:s26+s14] =	stream.strided.scatter [tilespmem:s11], [sflag:$0x3], $0x5000, s15, s14, $0x38;
	[tilespmem:$0x14F00] =	vst v63  }
0xa8: {  	_ =	swait.ge [sflag:s16], $0x5000  }
0xa9: {  	[sflag:s16] =	ssyncset.done $0x0  }
0xaa: {  	s29 =	sadd.s32 $0xFFFF9C00, s20;
	s28 =	rddreg [dreg:$0x8];
	[sflag:s16] =	ssyncadd.s32 $0xFFFFB000  }
0xab: {  	[tilespmem:s11], [sflag:$0x1] =	stream.indirect.gather [hbm4b:s28+s10], $0x40, s29, s10, $0xb8;
	[tilespmem:$0x14F00] =	vst v63  }
0xac: {  	_ =	swait.ge [sflag:s17], $0x5000  }
0xad: {  	[sflag:s17] =	ssyncset.done $0x0  }
0xae: {  	s30 =	sadd.s32 $0x8, s24;
	[sflag:s17] =	ssyncadd.s32 $0xFFFFB000  }
0xaf: {  	[hbm4b:s30+s14] =	stream.strided.scatter [tilespmem:s12], [sflag:$0x4], $0x5000, s15, s14, $0x38;
	[tilespmem:$0x14F00] =	vst v63  }
0xb0: {  	_ =	swait.ge [sflag:s18], $0x5000  }
0xb1: {  	[sflag:s18] =	ssyncset.done $0x0  }
0xb2: {  	s31 =	rddreg [dreg:$0x9];
	[sflag:s18] =	ssyncadd.s32 $0xFFFFB000  }
0xb3: {  	[tilespmem:s12], [sflag:$0x2] =	stream.indirect.gather [hbm4b:s31+s10], $0x40, s29, s10, $0xb8;
	[tilespmem:$0x14F00] =	vst v63  }
0xb4: {  	_ =	swait.ge [sflag:s13], $0x5000  }
0xb5: {  	[sflag:s13] =	ssyncset.done $0x0  }
0xb6: {  	s26 =	sadd.s32 $0x10, s23;
	[sflag:s13] =	ssyncadd.s32 $0xFFFFB000  }
0xb7: {  	[hbm4b:s26+s14] =	stream.strided.scatter [tilespmem:s11], [sflag:$0x3], $0x5000, s15, s14, $0x38;
	[tilespmem:$0x14F00] =	vst v63  }
0xb8: {  	_ =	swait.ge [sflag:s16], $0x5000  }
0xb9: {  	[sflag:s16] =	ssyncset.done $0x0  }
0xba: {  	s29 =	sadd.s32 $0xFFFFB500, s20;
	s28 =	rddreg [dreg:$0xa];
	[sflag:s16] =	ssyncadd.s32 $0xFFFFB000  }
0xbb: {  	[tilespmem:s11], [sflag:$0x1] =	stream.indirect.gather [hbm4b:s28+s10], $0x40, s29, s10, $0xb8;
	[tilespmem:$0x14F00] =	vst v63  }
0xbc: {  	_ =	swait.ge [sflag:s17], $0x5000  }
0xbd: {  	[sflag:s17] =	ssyncset.done $0x0  }
0xbe: {  	s30 =	sadd.s32 $0x10, s24;
	[sflag:s17] =	ssyncadd.s32 $0xFFFFB000  }
0xbf: {  	[hbm4b:s30+s14] =	stream.strided.scatter [tilespmem:s12], [sflag:$0x4], $0x5000, s15, s14, $0x38;
	[tilespmem:$0x14F00] =	vst v63  }
0xc0: {  	_ =	swait.ge [sflag:s18], $0x5000  }
0xc1: {  	[sflag:s18] =	ssyncset.done $0x0  }
0xc2: {  	s31 =	rddreg [dreg:$0xb];
	[sflag:s18] =	ssyncadd.s32 $0xFFFFB000  }
0xc3: {  	[tilespmem:s12], [sflag:$0x2] =	stream.indirect.gather [hbm4b:s31+s10], $0x40, s29, s10, $0xb8;
	[tilespmem:$0x14F00] =	vst v63  }
0xc4: {  	_ =	swait.ge [sflag:s13], $0x5000  }
0xc5: {  	[sflag:s13] =	ssyncset.done $0x0  }
0xc6: {  	s26 =	sadd.s32 $0x18, s23;
	[sflag:s13] =	ssyncadd.s32 $0xFFFFB000  }
0xc7: {  	[hbm4b:s26+s14] =	stream.strided.scatter [tilespmem:s11], [sflag:$0x3], $0x5000, s15, s14, $0x38;
	[tilespmem:$0x14F00] =	vst v63  }
0xc8: {  	_ =	swait.ge [sflag:s16], $0x5000  }
0xc9: {  	[sflag:s16] =	ssyncset.done $0x0  }
0xca: {  	s29 =	sadd.s32 $0xFFFFCE00, s20;
	s28 =	rddreg [dreg:$0xc];
	[sflag:s16] =	ssyncadd.s32 $0xFFFFB000  }
0xcb: {  	[tilespmem:s11], [sflag:$0x1] =	stream.indirect.gather [hbm4b:s28+s10], $0x40, s29, s10, $0xb8;
	[tilespmem:$0x14F00] =	vst v63  }
0xcc: {  	_ =	swait.ge [sflag:s17], $0x5000  }
0xcd: {  	[sflag:s17] =	ssyncset.done $0x0  }
0xce: {  	s30 =	sadd.s32 $0x18, s24;
	[sflag:s17] =	ssyncadd.s32 $0xFFFFB000  }
0xcf: {  	[hbm4b:s30+s14] =	stream.strided.scatter [tilespmem:s12], [sflag:$0x4], $0x5000, s15, s14, $0x38;
	[tilespmem:$0x14F00] =	vst v63  }
0xd0: {  	_ =	swait.ge [sflag:s18], $0x5000  }
0xd1: {  	[sflag:s18] =	ssyncset.done $0x0  }
0xd2: {  	s31 =	rddreg [dreg:$0xd];
	[sflag:s18] =	ssyncadd.s32 $0xFFFFB000  }
0xd3: {  	[tilespmem:s12], [sflag:$0x2] =	stream.indirect.gather [hbm4b:s31+s10], $0x40, s29, s10, $0xb8;
	[tilespmem:$0x14F00] =	vst v63  }
0xd4: {  	_ =	swait.ge [sflag:s13], $0x5000  }
0xd5: {  	[sflag:s13] =	ssyncset.done $0x0  }
0xd6: {  	s26 =	sadd.s32 $0x20, s23;
	[sflag:s13] =	ssyncadd.s32 $0xFFFFB000  }
0xd7: {  	[hbm4b:s26+s14] =	stream.strided.scatter [tilespmem:s11], [sflag:$0x3], $0x5000, s15, s14, $0x38;
	[tilespmem:$0x14F00] =	vst v63  }
0xd8: {  	_ =	swait.ge [sflag:s16], $0x5000  }
0xd9: {  	[sflag:s16] =	ssyncset.done $0x0  }
0xda: {  	s29 =	sadd.s32 $0xFFFFE700, s20;
	s28 =	rddreg [dreg:$0xe];
	[sflag:s16] =	ssyncadd.s32 $0xFFFFB000  }
0xdb: {  	[tilespmem:s11], [sflag:$0x1] =	stream.indirect.gather [hbm4b:s28+s10], $0x40, s29, s10, $0xb8;
	[tilespmem:$0x14F00] =	vst v63  }
0xdc: {  	_ =	swait.ge [sflag:s17], $0x5000  }
0xdd: {  	[sflag:s17] =	ssyncset.done $0x0  }
0xde: {  	s30 =	sadd.s32 $0x20, s24;
	[sflag:s17] =	ssyncadd.s32 $0xFFFFB000  }
0xdf: {  	[hbm4b:s30+s14] =	stream.strided.scatter [tilespmem:s12], [sflag:$0x4], $0x5000, s15, s14, $0x38;
	[tilespmem:$0x14F00] =	vst v63  }
0xe0: {  	_ =	swait.ge [sflag:s18], $0x5000  }
0xe1: {  	[sflag:s18] =	ssyncset.done $0x0  }
0xe2: {  	s31 =	rddreg [dreg:$0xf];
	[sflag:s18] =	ssyncadd.s32 $0xFFFFB000  }
0xe3: {  	[tilespmem:s12], [sflag:$0x2] =	stream.indirect.gather [hbm4b:s31+s10], $0x40, s29, s10, $0xb8;
	[tilespmem:$0x14F00] =	vst v63  }
0xe4: {  	_ =	swait.ge [sflag:s13], $0x5000  }
0xe5: {  	[sflag:s13] =	ssyncset.done $0x0  }
0xe6: {  	s26 =	sadd.s32 $0x28, s23;
	[sflag:s13] =	ssyncadd.s32 $0xFFFFB000  }
0xe7: {  	[hbm4b:s26+s14] =	stream.strided.scatter [tilespmem:s11], [sflag:$0x3], $0x5000, s15, s14, $0x38;
	[tilespmem:$0x14F00] =	vst v63  }
0xe8: {  	_ =	swait.ge [sflag:s16], $0x5000  }
0xe9: {  	[sflag:s16] =	ssyncset.done $0x0  }
0xea: {  	s28 =	rddreg [dreg:$0x10];
	[sflag:s16] =	ssyncadd.s32 $0xFFFFB000  }
0xeb: {  	[tilespmem:s11], [sflag:$0x1] =	stream.indirect.gather [hbm4b:s28+s10], $0x40, s20, s10, $0xb8;
	[tilespmem:$0x14F00] =	vst v63  }
0xec: {  	_ =	swait.ge [sflag:s17], $0x5000  }
0xed: {  	[sflag:s17] =	ssyncset.done $0x0  }
0xee: {  	s29 =	sadd.s32 $0x28, s24;
	[sflag:s17] =	ssyncadd.s32 $0xFFFFB000  }
0xef: {  	[hbm4b:s29+s14] =	stream.strided.scatter [tilespmem:s12], [sflag:$0x4], $0x5000, s15, s14, $0x38;
	[tilespmem:$0x14F00] =	vst v63  }
0xf0: {  	_ =	swait.ge [sflag:s18], $0x5000  }
0xf1: {  	[sflag:s18] =	ssyncset.done $0x0  }
0xf2: {  	s30 =	rddreg [dreg:$0x11];
	[sflag:s18] =	ssyncadd.s32 $0xFFFFB000  }
0xf3: {  	[tilespmem:s12], [sflag:$0x2] =	stream.indirect.gather [hbm4b:s30+s10], $0x40, s20, s10, $0xb8;
	[tilespmem:$0x14F00] =	vst v63  }
0xf4: {  	_ =	swait.ge [sflag:s13], $0x5000  }
0xf5: {  	[sflag:s13] =	ssyncset.done $0x0  }
0xf6: {  	s23 =	sadd.s32 $0x30, s23;
	[sflag:s13] =	ssyncadd.s32 $0xFFFFB000  }
0xf7: {  	[hbm4b:s23+s14] =	stream.strided.scatter [tilespmem:s11], [sflag:$0x3], $0x5000, s15, s14, $0x38;
	[tilespmem:$0x14F00] =	vst v63  }
0xf8: {  	_ =	swait.ge [sflag:s17], $0x5000  }
0xf9: {  	[sflag:s17] =	ssyncset.done $0x0  }
0xfa: {  	p0 =	sne.s32 s22, $0x53200;
	s31 =	sadd.s32 $0x30, s24;
	[sflag:s17] =	ssyncadd.s32 $0xFFFFB000  }
0xfb: {  	[hbm4b:s31+s14] =	stream.strided.scatter [tilespmem:s12], [sflag:$0x4], $0x5000, s15, s14, $0x38;
	[tilespmem:$0x14F00] =	vst v63  }
.Ltmp0:
0xfc: {  	_ =	swait.ge [sflag:s16], $0x5000;
	(pc) =	sbr.rel @p0 .LBB2_2-.Ltmp0, $4  }
0xfd: {  	[sflag:s16] =	ssyncset.done $0x0  }
0xfe: {  	[sflag:s16] =	ssyncadd.s32 $0xFFFFB000  }
0xff: {  	s25 =	smov.u32 s22;
	s22 =	sadd.s32 $0x4600, s22;
	_ =	swait.ge [sflag:s18], $0x5000  }
0x100: {  	s21 =	smov.u32 s25;
	s23 =	rddreg [dreg:$0x4];
	[sflag:s18] =	ssyncset.done $0x0  }
0x101: {  	s20 =	sadd.s32 $0x140, s20  }
0x102: {  	[sflag:s18] =	ssyncadd.s32 $0xFFFFB000;
	s22 =	sadd.s32 $0xFFFF6A00, s20  }
0x103: {  	[tilespmem:s11], [sflag:$0x1] =	stream.indirect.gather [hbm4b:s23+s10], $0x40, s22, s10, $0xb8;
	[tilespmem:$0x14F00] =	vst v63  }
0x104: {  	s24 =	rddreg [dreg:$0x5]  }
0x105: {  	[tilespmem:s12], [sflag:$0x2] =	stream.indirect.gather [hbm4b:s24+s10], $0x40, s22, s10, $0xb8;
	[tilespmem:$0x14F00] =	vst v63  }
0x106: {  	_ =	swait.ge [sflag:s13], $0x5000  }
0x107: {  	[sflag:s13] =	ssyncset.done $0x0  }
0x108: {  	s22 =	sadd.s32 s21, s5;
	[sflag:s13] =	ssyncadd.s32 $0xFFFFB000  }
0x109: {  	[hbm4b:s22+s14] =	stream.strided.scatter [tilespmem:s11], [sflag:$0x3], $0x5000, s15, s14, $0x38;
	[tilespmem:$0x14F00] =	vst v63  }
0x10a: {  	_ =	swait.ge [sflag:s16], $0x5000  }
0x10b: {  	[sflag:s16] =	ssyncset.done $0x0  }
0x10c: {  	s29 =	sadd.s32 $0xFFFF8300, s20;
	s28 =	rddreg [dreg:$0x6];
	[sflag:s16] =	ssyncadd.s32 $0xFFFFB000  }
0x10d: {  	[tilespmem:s11], [sflag:$0x1] =	stream.indirect.gather [hbm4b:s28+s10], $0x40, s29, s10, $0xb8;
	[tilespmem:$0x14F00] =	vst v63  }
0x10e: {  	_ =	swait.ge [sflag:s17], $0x5000  }
0x10f: {  	[sflag:s17] =	ssyncset.done $0x0  }
0x110: {  	s21 =	sadd.s32 s21, s6;
	[sflag:s17] =	ssyncadd.s32 $0xFFFFB000  }
0x111: {  	[hbm4b:s21+s14] =	stream.strided.scatter [tilespmem:s12], [sflag:$0x4], $0x5000, s15, s14, $0x38;
	[tilespmem:$0x14F00] =	vst v63  }
0x112: {  	_ =	swait.ge [sflag:s18], $0x5000  }
0x113: {  	[sflag:s18] =	ssyncset.done $0x0  }
0x114: {  	s30 =	rddreg [dreg:$0x7];
	[sflag:s18] =	ssyncadd.s32 $0xFFFFB000  }
0x115: {  	[tilespmem:s12], [sflag:$0x2] =	stream.indirect.gather [hbm4b:s30+s10], $0x40, s29, s10, $0xb8;
	[tilespmem:$0x14F00] =	vst v63  }
0x116: {  	_ =	swait.ge [sflag:s13], $0x5000  }
0x117: {  	[sflag:s13] =	ssyncset.done $0x0  }
0x118: {  	s31 =	sadd.s32 $0x8, s22;
	[sflag:s13] =	ssyncadd.s32 $0xFFFFB000  }
0x119: {  	[hbm4b:s31+s14] =	stream.strided.scatter [tilespmem:s11], [sflag:$0x3], $0x5000, s15, s14, $0x38;
	[tilespmem:$0x14F00] =	vst v63  }
0x11a: {  	_ =	swait.ge [sflag:s16], $0x5000  }
0x11b: {  	[sflag:s16] =	ssyncset.done $0x0  }
0x11c: {  	s25 =	sadd.s32 $0xFFFF9C00, s20;
	s24 =	rddreg [dreg:$0x8];
	[sflag:s16] =	ssyncadd.s32 $0xFFFFB000  }
0x11d: {  	[tilespmem:s11], [sflag:$0x1] =	stream.indirect.gather [hbm4b:s24+s10], $0x40, s25, s10, $0xb8;
	[tilespmem:$0x14F00] =	vst v63  }
0x11e: {  	_ =	swait.ge [sflag:s17], $0x5000  }
0x11f: {  	[sflag:s17] =	ssyncset.done $0x0  }
0x120: {  	s26 =	sadd.s32 $0x8, s21;
	[sflag:s17] =	ssyncadd.s32 $0xFFFFB000  }
0x121: {  	[hbm4b:s26+s14] =	stream.strided.scatter [tilespmem:s12], [sflag:$0x4], $0x5000, s15, s14, $0x38;
	[tilespmem:$0x14F00] =	vst v63  }
0x122: {  	_ =	swait.ge [sflag:s18], $0x5000  }
0x123: {  	[sflag:s18] =	ssyncset.done $0x0  }
0x124: {  	s28 =	rddreg [dreg:$0x9];
	[sflag:s18] =	ssyncadd.s32 $0xFFFFB000  }
0x125: {  	[tilespmem:s12], [sflag:$0x2] =	stream.indirect.gather [hbm4b:s28+s10], $0x40, s25, s10, $0xb8;
	[tilespmem:$0x14F00] =	vst v63  }
0x126: {  	_ =	swait.ge [sflag:s13], $0x5000  }
0x127: {  	[sflag:s13] =	ssyncset.done $0x0  }
0x128: {  	s29 =	sadd.s32 $0x10, s22;
	[sflag:s13] =	ssyncadd.s32 $0xFFFFB000  }
0x129: {  	[hbm4b:s29+s14] =	stream.strided.scatter [tilespmem:s11], [sflag:$0x3], $0x5000, s15, s14, $0x38;
	[tilespmem:$0x14F00] =	vst v63  }
0x12a: {  	_ =	swait.ge [sflag:s16], $0x5000  }
0x12b: {  	[sflag:s16] =	ssyncset.done $0x0  }
0x12c: {  	s31 =	sadd.s32 $0xFFFFB500, s20;
	s30 =	rddreg [dreg:$0xa];
	[sflag:s16] =	ssyncadd.s32 $0xFFFFB000  }
0x12d: {  	[tilespmem:s11], [sflag:$0x1] =	stream.indirect.gather [hbm4b:s30+s10], $0x40, s31, s10, $0xb8;
	[tilespmem:$0x14F00] =	vst v63  }
0x12e: {  	_ =	swait.ge [sflag:s17], $0x5000  }
0x12f: {  	[sflag:s17] =	ssyncset.done $0x0  }
0x130: {  	s25 =	sadd.s32 $0x10, s21;
	[sflag:s17] =	ssyncadd.s32 $0xFFFFB000  }
0x131: {  	[hbm4b:s25+s14] =	stream.strided.scatter [tilespmem:s12], [sflag:$0x4], $0x5000, s15, s14, $0x38;
	[tilespmem:$0x14F00] =	vst v63  }
0x132: {  	_ =	swait.ge [sflag:s18], $0x5000  }
0x133: {  	[sflag:s18] =	ssyncset.done $0x0  }
0x134: {  	s26 =	rddreg [dreg:$0xb];
	[sflag:s18] =	ssyncadd.s32 $0xFFFFB000  }
0x135: {  	[tilespmem:s12], [sflag:$0x2] =	stream.indirect.gather [hbm4b:s26+s10], $0x40, s31, s10, $0xb8;
	[tilespmem:$0x14F00] =	vst v63  }
0x136: {  	_ =	swait.ge [sflag:s13], $0x5000  }
0x137: {  	[sflag:s13] =	ssyncset.done $0x0  }
0x138: {  	s28 =	sadd.s32 $0x18, s22;
	[sflag:s13] =	ssyncadd.s32 $0xFFFFB000  }
0x139: {  	[hbm4b:s28+s14] =	stream.strided.scatter [tilespmem:s11], [sflag:$0x3], $0x5000, s15, s14, $0x38;
	[tilespmem:$0x14F00] =	vst v63  }
0x13a: {  	_ =	swait.ge [sflag:s16], $0x5000  }
0x13b: {  	[sflag:s16] =	ssyncset.done $0x0  }
0x13c: {  	s30 =	sadd.s32 $0xFFFFCE00, s20;
	s29 =	rddreg [dreg:$0xc];
	[sflag:s16] =	ssyncadd.s32 $0xFFFFB000  }
0x13d: {  	[tilespmem:s11], [sflag:$0x1] =	stream.indirect.gather [hbm4b:s29+s10], $0x40, s30, s10, $0xb8;
	[tilespmem:$0x14F00] =	vst v63  }
0x13e: {  	_ =	swait.ge [sflag:s17], $0x5000  }
0x13f: {  	[sflag:s17] =	ssyncset.done $0x0  }
0x140: {  	s31 =	sadd.s32 $0x18, s21;
	[sflag:s17] =	ssyncadd.s32 $0xFFFFB000  }
0x141: {  	[hbm4b:s31+s14] =	stream.strided.scatter [tilespmem:s12], [sflag:$0x4], $0x5000, s15, s14, $0x38;
	[tilespmem:$0x14F00] =	vst v63  }
0x142: {  	_ =	swait.ge [sflag:s18], $0x5000  }
0x143: {  	[sflag:s18] =	ssyncset.done $0x0  }
0x144: {  	s25 =	rddreg [dreg:$0xd];
	[sflag:s18] =	ssyncadd.s32 $0xFFFFB000  }
0x145: {  	[tilespmem:s12], [sflag:$0x2] =	stream.indirect.gather [hbm4b:s25+s10], $0x40, s30, s10, $0xb8;
	[tilespmem:$0x14F00] =	vst v63  }
0x146: {  	_ =	swait.ge [sflag:s13], $0x5000  }
0x147: {  	[sflag:s13] =	ssyncset.done $0x0  }
0x148: {  	s26 =	sadd.s32 $0x20, s22;
	[sflag:s13] =	ssyncadd.s32 $0xFFFFB000  }
0x149: {  	[hbm4b:s26+s14] =	stream.strided.scatter [tilespmem:s11], [sflag:$0x3], $0x5000, s15, s14, $0x38;
	[tilespmem:$0x14F00] =	vst v63  }
0x14a: {  	_ =	swait.ge [sflag:s16], $0x5000  }
0x14b: {  	[sflag:s16] =	ssyncset.done $0x0  }
0x14c: {  	s29 =	sadd.s32 $0xFFFFE700, s20;
	s28 =	rddreg [dreg:$0xe];
	[sflag:s16] =	ssyncadd.s32 $0xFFFFB000  }
0x14d: {  	[tilespmem:s11], [sflag:$0x1] =	stream.indirect.gather [hbm4b:s28+s10], $0x40, s29, s10, $0xb8;
	[tilespmem:$0x14F00] =	vst v63  }
0x14e: {  	_ =	swait.ge [sflag:s17], $0x5000  }
0x14f: {  	[sflag:s17] =	ssyncset.done $0x0  }
0x150: {  	s30 =	sadd.s32 $0x20, s21;
	[sflag:s17] =	ssyncadd.s32 $0xFFFFB000  }
0x151: {  	[hbm4b:s30+s14] =	stream.strided.scatter [tilespmem:s12], [sflag:$0x4], $0x5000, s15, s14, $0x38;
	[tilespmem:$0x14F00] =	vst v63  }
0x152: {  	_ =	swait.ge [sflag:s18], $0x5000  }
0x153: {  	[sflag:s18] =	ssyncset.done $0x0  }
0x154: {  	s31 =	rddreg [dreg:$0xf];
	[sflag:s18] =	ssyncadd.s32 $0xFFFFB000  }
0x155: {  	[tilespmem:s12], [sflag:$0x2] =	stream.indirect.gather [hbm4b:s31+s10], $0x40, s29, s10, $0xb8;
	[tilespmem:$0x14F00] =	vst v63  }
0x156: {  	_ =	swait.ge [sflag:s13], $0x5000  }
0x157: {  	[sflag:s13] =	ssyncset.done $0x0  }
0x158: {  	s25 =	sadd.s32 $0x28, s22;
	[sflag:s13] =	ssyncadd.s32 $0xFFFFB000  }
0x159: {  	[hbm4b:s25+s14] =	stream.strided.scatter [tilespmem:s11], [sflag:$0x3], $0x5000, s15, s14, $0x38;
	[tilespmem:$0x14F00] =	vst v63  }
0x15a: {  	_ =	swait.ge [sflag:s16], $0x5000  }
0x15b: {  	[sflag:s16] =	ssyncset.done $0x0  }
0x15c: {  	s26 =	rddreg [dreg:$0x10];
	[sflag:s16] =	ssyncadd.s32 $0xFFFFB000  }
0x15d: {  	[tilespmem:s11], [sflag:$0x1] =	stream.indirect.gather [hbm4b:s26+s10], $0x40, s20, s10, $0xb8;
	[tilespmem:$0x14F00] =	vst v63  }
0x15e: {  	_ =	swait.ge [sflag:s17], $0x5000  }
0x15f: {  	[sflag:s17] =	ssyncset.done $0x0  }
0x160: {  	s28 =	sadd.s32 $0x28, s21;
	[sflag:s17] =	ssyncadd.s32 $0xFFFFB000  }
0x161: {  	[hbm4b:s28+s14] =	stream.strided.scatter [tilespmem:s12], [sflag:$0x4], $0x5000, s15, s14, $0x38;
	[tilespmem:$0x14F00] =	vst v63  }
0x162: {  	_ =	swait.ge [sflag:s18], $0x5000  }
0x163: {  	[sflag:s18] =	ssyncset.done $0x0  }
0x164: {  	s29 =	rddreg [dreg:$0x11];
	[sflag:s18] =	ssyncadd.s32 $0xFFFFB000  }
0x165: {  	[tilespmem:s12], [sflag:$0x2] =	stream.indirect.gather [hbm4b:s29+s10], $0x40, s20, s10, $0xb8;
	[tilespmem:$0x14F00] =	vst v63  }
0x166: {  	_ =	swait.ge [sflag:s13], $0x5000  }
0x167: {  	[sflag:s13] =	ssyncset.done $0x0  }
0x168: {  	s30 =	sadd.s32 $0x30, s22;
	[sflag:s13] =	ssyncadd.s32 $0xFFFFB000  }
0x169: {  	[hbm4b:s30+s14] =	stream.strided.scatter [tilespmem:s11], [sflag:$0x3], $0x5000, s15, s14, $0x38;
	[tilespmem:$0x14F00] =	vst v63  }
0x16a: {  	_ =	swait.ge [sflag:s17], $0x5000  }
0x16b: {  	[sflag:s17] =	ssyncset.done $0x0  }
0x16c: {  	s19 =	sadd.s32 $0x1, s19;
	s31 =	sadd.s32 $0x30, s21;
	[sflag:s17] =	ssyncadd.s32 $0xFFFFB000  }
0x16d: {  	[hbm4b:s31+s14] =	stream.strided.scatter [tilespmem:s12], [sflag:$0x4], $0x5000, s15, s14, $0x38;
	[tilespmem:$0x14F00] =	vst v63  }
0x16e: {  	p0 =	sne.s32 s19, s4;
	_ =	swait.ge [sflag:s16], $0x5000  }
.Ltmp1:
0x16f: {  	[sflag:s16] =	ssyncset.done $0x0;
	(pc) =	sbr.rel @p0 .LBB2_1-.Ltmp1, $4  }
0x170: {  	[sflag:s16] =	ssyncadd.s32 $0xFFFFB000  }
0x171: {  	_ =	swait.ge [sflag:s18], $0x5000  }
0x172: {  	[sflag:s18] =	ssyncset.done $0x0  }
0x173: {  	[sflag:s18] =	ssyncadd.s32 $0xFFFFB000  }
0x174: {  	_ =	sfence.sel $0x180000  }
0x175: {  	[bflag:$0x0] =	sbarrier.arrive $0xFFFF  }
0x176: {  	p0 =	sne.s32 s2, $0x0;
	_ =	strace $0x90000047  }
0x177: {  	s0 =	sadd.s32 @!p0 $0x100000, s0;
	[bflag:$0x2] =	sbarrier.arrive $0xFFFF  }
0x178: {  	[sflag:s0] =	ssyncadd.tile.s32 @!p0 $0x1;
	_ =	shalt  }
.Lfunc_end2:
_tile_overlayer_lowered:
.L_overlay_start_2:
0x179: {  	(tag) =	ssettag $0x2  }
0x17a: {  	s0 =	rddreg [dreg:$0x0];
	s2 =	stileid.u32  }
0x17b: {  	s1 =	rddreg [dreg:$0x1];
	p0 =	sne.s32 s2, $0x0  }
0x17c: {  	s3 =	rddreg [dreg:$0x2];
	[bflag:$0x3] =	sbarrier.arrive $0xFFFF;
	s2 =	simm.s32 @!p0 $0x1C05  }
0x17d: {  	[timem:s3], [sflag:s2] =	dma.local @!p0 [hbm:s0], s1  }
0x17e: {  	s0 =	simm.s32 @!p0 $0x5  }
0x17f: {  	_ =	swait.ge @!p0 [sflag:s0], s1  }
0x180: {  	s1 =	ssub.s32 @!p0 $0x0, s1;
	[sflag:s0] =	ssyncset.done @!p0 $0x0  }
0x181: {  	[sflag:s0] =	ssyncadd.s32 @!p0 s1  }
0x182: {  	[bflag:$0x3] =	sbarrier.arrive $0xFFFF  }
0x183: {  	_ =	shalt  }

// kernel: sparse-core-data-format-call.1.cloned.1.call-start
scs
called_computation.1_lowered:
.L_overlay_start_0:
0x0: {  	s2 =	sld [smem:$0x3FD9]  }
0x1: {  	s3 =	sld [smem:$0x3FFE];
	_ =	sdelay $0x1  }
0x2: {  	s1 =	srdreg.scid  }
0x3: {  	s0 =	sand.u32 $0x1, s1  }
0x4: {  	s15 =	sshll.u32 s0, $0xA;
	s2 =	sadd.s32 s3, s2  }
0x5: {  	s2 =	sadd.s32 s2, s15  }
0x6: {  	[smem:$0x3FB9] =	sst s2  }
0x7: {  	_ = 	snop  }
0x8: {  	s2 =	sld [smem:$0x3FD0];
	_ =	sdelay $0x2  }
0x9: {  	s16 =	simm.s32 $0xB;
	s4 =	simm.s32 $0x10  }
0xa: {  	[smem:s4], [sflag:s16] =	dma.local [hbm:s2], $0x1  }
0xb: {  	_ =	swait.eq [sflag:s16], $0x1  }
0xc: {  	[sflag:s16] =	ssyncset.done $0x0  }
0xd: {  	[sflag:s16] =	ssyncadd.s32 $0xFFFFFFFF  }
0xe: {  	s17 =	sld [smem:$0x10];
	(tm) =	ssettm $0x1  }
0xf: {  	s18 =	sld [smem:$0x3FFB];
	_ =	sdelay $0x3  }
0x10: {  	_ =	strace s18  }
0x11: {  	s3 =	sld [smem:$0x3FFC];
	_ =	sdelay $0x3  }
0x12: {  	_ =	strace s3  }
0x13: {  	s3 =	sld [smem:$0x3FFD];
	_ =	sdelay $0x3  }
0x14: {  	_ =	strace s3  }
0x15: {  	_ =	strace $0x8FFFFFFF  }
0x16: {  	s19 =	sld [smem:$0x3FDB];
	_ =	sdelay $0x1  }
0x17: {  	s20 =	simm.s32 $_scs_section_size  }
0x18: {  	s5 =	simm.s32 $_size__tile_overlayer_lowered;
	s6 =	simm.s32 $_tile_overlayer_lowered  }
0x19: {  	s23 =	simm.s32 $0x1BFF;
	s22 =	sshll.u32 s6, $0x1;
	s3 =	sadd.s32 s20, s19  }
0x1a: {  	s7 =	simm.s32 $0x0;
	s21 =	sshll.u32 s5, $0x1;
	s5 =	sadd.s32 s22, s3  }
0x1b: {  	[timem:s7], [sflag:s23] =	dma.local [hbm:s5], s21  }
0x1c: {  	_ =	swait.ge [sflag:s23], s21  }
0x1d: {  	s4 =	ssub.s32 $0x0, s21;
	[sflag:s23] =	ssyncset.done $0x0  }
0x1e: {  	[sflag:s23] =	ssyncadd.s32 s4;
	_ =	sdelay $0x1  }
0x1f: {  	s24 =	simm.s32 $0x1B8B  }
0x20: {  	_ =	swait.ge [sflag:s24], $0x1  }
0x21: {  	[sflag:s24] =	ssyncset.done $0x0  }
0x22: {  	s26 =	simm.s32 $0x1B8E;
	s25 =	sld [smem:$0x3FFE];
	[sflag:s24] =	ssyncadd.s32 $0xFFFFFFFF  }
0x23: {  	s27 =	simm.s32 $execute0_lowered;
	[smem:$0x3FD2] =	sst s26  }
0x24: {  	s5 =	sshll.u32 s27, $0x1;
	_ =	strace $0x80000049;
	[dreg:$0x1] =	wrdreg $0xFFFFFFFF  }
0x25: {  	s28 =	simm.s32 $_size_execute0_lowered;
	s3 =	sadd.s32 s3, s5;
	[dreg:$0x0] =	wrdreg $0x0  }
0x26: {  	s5 =	sshll.u32 s28, $0x1;
	[dreg:$0x2] =	wrdreg s3  }
0x27: {  	[dreg:$0x3] =	wrdreg s5  }
0x28: {  	[dreg:$0x4] =	wrdreg $0xC0  }
0x29: {  	_ =	task [dreg:s7], $0x5FFFF  }
0x2a: {  	[dreg:$0x1] =	wrdreg $0xFFFFFFFF  }
0x2b: {  	[dreg:$0x0] =	wrdreg $0x60  }
0x2c: {  	[dreg:$0x2] =	wrdreg s25  }
0x2d: {  	[dreg:$0x3] =	wrdreg s17  }
0x2e: {  	[dreg:$0x4] =	wrdreg $0xA  }
0x2f: {  	_ =	task.clear_ibuf [dreg:s7], $0x5FFFF;
	_ =	strace $0x90000049  }
0x30: {  	s29 =	simm.s32 $0xA;
	_ =	strace $0x8000004B  }
0x31: {  	_ =	swait.ge [sflag:s29], $0x1  }
0x32: {  	[sflag:s29] =	ssyncadd.s32 $0xFFFFFFFF  }
0x33: {  	_ =	strace $0x9000004B  }
0x34: {  	_ =	sfence  }
0x35: {  	s30 =	sld [smem:$0x0];
	_ =	sdelay $0x2  }
0x36: {  	s31 =	sshll.u32 s1, $0xD;
	s1 =	sshrl.u32 s1, $0x2  }
0x37: {  	s3 =	sand.u32 $0x4000, s31;
	s1 =	sadd.s32 s1, s30  }
0x38: {  	s0 =	sor.u32 s3, s0;
	s1 =	sshll.u32 s1, $0x11  }
0x39: {  	s0 =	sor.u32 s1, s0  }
0x3a: {  	s0 =	sadd.s32 $0x8F2B, s0  }
0x3b: {  	[sflag:s0] =	ssyncadd.remote.s32 $0x1  }
0x3c: {  	_ =	sfence.sel $0xFFFF  }
0x3d: {  	[dreg:$0x0] =	wrdreg $0xFFFFFFFF;
	(pc) =	sbr.abs _section_cstart, $3  }
0x3e: {  	[dreg:$0x1] =	wrdreg $0xFFFFFFFF  }
0x3f: {  	_ =	task.clear_ibuf [dreg:s7], $0x2FFFF;
	_ =	strace $0x9FFFFFFF  }
0x40: {  	(tm) =	ssettm $0x7FFFFFFF  }
0x41: {  	_ =	shalt  }
tec
execute0_lowered:
.L_overlay_start_1:
0x0: {  	(tag) =	ssettag $0x1  }
0x1: {  	s0 =	srdreg.scid;
	s5 =	rddreg [dreg:$0x0]  }
0x2: {  	s3 =	rddreg [dreg:$0x1];
	s1 =	sshll.u32 s0, $0x4  }
0x3: {  	s7 =	simm.s32 $0x1;
	s0 =	stileid.u32;
	s1 =	sand.u32 $0x10, s1  }
0x4: {  	s8 =	simm.s32 $0x2;
	s15 =	simm.s32 $0x0;
	s1 =	sor.u32 s0, s1  }
0x5: {  	s14 =	simm.s32 $0x0;
	s9 =	simm.s32 $0x0;
	s2 =	sshll.u32 s1, $0x7  }
0x6: {  	s10 =	simm.s32 $0x0;
	s11 =	simm.s32 $0x0;
	s6 =	ssub.s32 $0x32000, s2  }
0x7: {  	s13 =	simm.s32 $0x0;
	s5 =	sadd.s32 $0xDC00, s5;
	s4 =	sand.u32 $0xF80, s6  }
.Ltmp0:
0x8: {  	s1 =	rddreg [dreg:$0x2];
	p0 =	sne.s32 s4, $0x0;
	(pc) =	sbr.rel .LBB1_1-.Ltmp0, $4  }
0x9: {  	_ =	strace $0x8000004A;
	s6 =	sshrl.u32 s6, $0xC;
	s7 =	simm.s32 @!p0 $0x0  }
0xa: {  	s12 =	smov.u32 s2;
	s4 =	simm.s32 $0x1;
	s6 =	sadd.s32 s7, s6  }
0xb: {  	[sflag:s4] =	ssyncpa.u1 $0x0;
	p0 =	por $0x0, $0x0;
	s6 =	sshll.u32 s6, $0x2  }
0xc: {  	[sflag:s8] =	ssyncpa.u1 $0x0;
	s8 =	simm.s32 $0x190000;
	s7 =	sor.u32 $0x1, s6  }
.LBB1_4:
0xd: {  	s21 =	sshrl.u32 s9, $0x3;
	s22 =	sshll.u32 s10, $0x3  }
0xe: {  	s20 =	sshra.s32 s20, $0x2;
	s23 =	sshll.u32 s9, $0x7;
	s24 =	sand.u32 $0x7F, s10  }
0xf: {  	p1 =	sgt.s32 s9, $0x140;
	s28 =	sshra.s32 s9, $0x1F;
	s21 =	smul.u32 $0x190000, s21  }
0x10: {  	s29 =	sshra.s32 s10, $0x1F;
	s22 =	sand.u32 $0xFFFFFC00, s22;
	s25 =	sand.u32 $0x380, s23  }
0x11: {  	s19 =	sadd.s32 s20, s19;
	s26 =	sor.u32 s24, s25;
	s21 =	sadd.s32 s22, s21  }
0x12: {  	s27 =	smulhi.u32 $0x51EB851F, s21;
	s20 =	sor.u32 s21, s26;
	s21 =	smov.u32 s9  }
0x13: {  	v5 =	vld [tilespmem:s17+$0xFFFFFFD0];
	[tilespmem:s18+$0x2040 ss:$0x81] =	vst.msk $0xffff, v4;
	s23 =	sand.u32 s28, s9;
	s24 =	sand.u32 s29, s10;
	s21 =	simm.s32 @!p1 $0x140  }
0x14: {  	v58 =	vld [tilespmem:s17+$0xFFFFFFE0];
	[tilespmem:s18+$0x2850 ss:$0x81] =	vst.msk $0xffff, v3;
	p1 =	sgt.s32 s10, $0x31F80;
	s30 =	smulhi.u32 $0x51EB851F, s20;
	s22 =	sshrl.u32 s27, $0x10  }
0x15: {  	v59 =	vld [tilespmem:s17+$0xFFFFFFF0];
	[tilespmem:s18+$0x3060 ss:$0x81] =	vst.msk $0xffff, v2;
	s21 =	ssub.s32 s21, s23;
	s23 =	smov.u32 s10;
	s25 =	smul.u32 $0x4925, s22  }
0x16: {  	v60 =	vld [tilespmem:s17+$0x0];
	[tilespmem:s18+$0x0 ss:$0x81] =	vst.msk $0xffff, v0;
	s23 =	simm.s32 @!p1 $0x31F80;
	s31 =	sadd.s32 $0xFFFFFEC0, s21;
	s18 =	sshrl.u32 s30, $0x10  }
0x17: {  	v61 =	vld [tilespmem:s17+$0x10];
	[tilespmem:s19+$0x3870 ss:$0x81] =	vst.msk $0xffff, v1;
	s23 =	ssub.s32 s23, s24;
	s28 =	smul.u32 $0x32000, s18;
	s25 =	sshrl.u32 s25, $0x17  }
0x18: {  	v62 =	vld [tilespmem:s17+$0x20];
	[tilespmem:s19+$0x810 ss:$0x81] =	vst.msk $0xffff, v5;
	p1 =	sgt.s32 s31, $0x7F;
	s26 =	sadd.s32 $0xFFFCE080, s23;
	s27 =	smul.u32 $0x1C0, s25  }
0x19: {  	v63 =	vld [tilespmem:s17+$0xFFFFFFC0];
	[tilespmem:s19+$0x1020 ss:$0x81] =	vst.msk $0xffff, v58;
	s18 =	ssub.s32 $0x1C0, s21;
	s21 =	ssub.s32 $0x32000, s23;
	p2 =	sgt.s32 s26, $0x7F  }
0x1a: {  	[tilespmem:s19+$0x1830 ss:$0x81] =	vst.msk $0xffff, v59;
	s18 =	simm.s32 @p1 $0x0;
	s21 =	simm.s32 @p2 $0x0;
	s22 =	ssub.s32 s22, s27  }
0x1b: {  	[tilespmem:s19+$0x2040 ss:$0x81] =	vst.msk $0xffff, v60;
	s17 =	ssub.s32 s20, s28;
	s18 =	smul.u32 s21, s18;
	s29 =	sand.u32 $0xFFFF, s22  }
0x1c: {  	[tilespmem:s19+$0x2850 ss:$0x81] =	vst.msk $0xffff, v61;
	s30 =	sshrl.u32 s17, $0x3;
	s17 =	sand.u32 $0x7, s17;
	s20 =	smul.u32 $0x6400, s29  }
0x1d: {  	[tilespmem:s19+$0x3060 ss:$0x81] =	vst.msk $0xffff, v62;
	s21 =	sadd.s32 s3, s30;
	s17 =	sshll.u32 s17, $0x12  }
0x1e: {  	[tilespmem:s19+$0x0 ss:$0x81] =	vst.msk $0xffff, v63;
	s17 =	sor.u32 $0x400, s17;
	s18 =	sand.u32 $0x3FFFFFFF, s18;
	s31 =	sadd.s32 s20, s21  }
0x1f: {  	[hbm4b:s31+s17] =	stream.strided.scatter [tilespmem:s16], [sflag:$0x2], s18, s8, s17, $0x20;
	[tilespmem:$0x10100] =	vst v63  }
.LBB1_5:
0x20: {  	p1 =	slt.u32 s13, $0x2  }
0x21: {  	s17 =	smov.u32 s15;
	p2 =	sgt.s32 @!p1 s15, $0x140;
	s16 =	sshra.s32 @!p1 s15, $0x1F  }
0x22: {  	p3 =	sgt.s32 @!p1 s14, $0x31F80;
	s18 =	sshra.s32 @!p1 s14, $0x1F;
	p2 =	por !p2, p1  }
0x23: {  	s15 =	sand.u32 @!p1 s16, s15;
	p3 =	por !p3, p1;
	s16 =	smov.u32 s14  }
0x24: {  	s14 =	sand.u32 @!p1 s18, s14;
	s17 =	simm.s32 @p2 $0x140;
	s16 =	simm.s32 @p3 $0x31F80  }
0x25: {  	s15 =	ssub.s32 @!p1 s17, s15;
	s14 =	ssub.s32 @!p1 s16, s14  }
0x26: {  	s18 =	smov.u32 s12;
	s16 =	sadd.s32 @!p1 $0xFFFFFEC0, s15;
	s17 =	sadd.s32 @!p1 $0xFFFCE080, s14  }
0x27: {  	s15 =	ssub.s32 @!p1 $0x1C0, s15;
	p2 =	sgt.s32 @!p1 s16, $0x7F;
	p3 =	sgt.s32 @!p1 s17, $0x7F  }
0x28: {  	s14 =	ssub.s32 @!p1 $0x32000, s14;
	p2 =	por !p2, p1;
	p3 =	por !p3, p1  }
0x29: {  	s16 =	sadd.s32 $0x80, s11;
	s15 =	simm.s32 @!p2 $0x0;
	s14 =	simm.s32 @!p3 $0x0  }
0x2a: {  	p2 =	sgt.s32 s16, $0x1BF;
	s14 =	smul.u32 @!p1 s14, s15;
	s15 =	sadd.s32 $0x1000, s12  }
0x2b: {  	s18 =	smov.u32 @p2 s15  }
0x2c: {  	s16 =	simm.s32 @p2 $0x0;
	p2 =	sgt.s32 s18, $0x31FFF  }
0x2d: {  	s18 =	smov.u32 @p2 s2;
	p2 =	sne.s32 s13, s7  }
.Ltmp1:
0x2e: {  	p0 =	por !p0, !p0;
	s17 =	simm.s32 @!p1 $0x2;
	(pc) =	sbr.rel @!p2 .LBB1_6-.Ltmp1, $4  }
0x2f: {  	s15 =	smov.u32 s9;
	s9 =	smov.u32 s11;
	s14 =	sand.u32 @!p1 $0x3FFFFFFF, s14  }
0x30: {  	s11 =	smov.u32 s16;
	_ =	swait.ge @!p1 [sflag:s17], s14;
	s19 =	ssub.s32 @!p1 $0x0, s14  }
0x31: {  	s14 =	smov.u32 s10;
	s13 =	sadd.s32 $0x1, s13;
	[sflag:s17] =	ssyncset.done @!p1 $0x0  }
0x32: {  	s10 =	smov.u32 s12;
	s12 =	smov.u32 s18;
	[sflag:s17] =	ssyncadd.s32 @!p1 s19  }
.LBB1_1:
0x33: {  	p1 =	sge.u32 s13, s6  }
0x34: {  	s16 =	sshll.u32 @!p1 s12, $0x9;
	s17 =	sshll.u32 @!p1 s11, $0x3  }
0x35: {  	s18 =	sshll.u32 @!p1 s12, $0x7;
	s16 =	sand.u32 @!p1 $0xFFFFF000, s16;
	s17 =	sand.u32 @!p1 $0xFFFFFC00, s17  }
0x36: {  	s16 =	sadd.s32 @!p1 s16, s17;
	s17 =	sand.u32 @!p1 $0x200, s18  }
0x37: {  	s16 =	sor.u32 @!p1 s17, s16  }
0x38: {  	s16 =	sshrl.u32 @!p1 s16, $0x9  }
0x39: {  	s17 =	smulhi.u32 @!p1 $0xA3D70B, s16;
	_ =	sdelay $0x1  }
0x3a: {  	s19 =	sxor.u32 @!p1 $0xFFFFFFFF, s13;
	s20 =	sand.u32 @!p1 $0x78, s11;
	s17 =	sshrl.u32 @!p1 s17, $0x9  }
0x3b: {  	s19 =	sshll.u32 @!p1 s19, $0xE;
	s18 =	sand.u32 @!p1 $0x180, s18;
	s17 =	smul.u32 @!p1 $0x32000, s17  }
0x3c: {  	s31 =	sadd.s32 $0xFFFFFFFF, s13;
	s19 =	sand.u32 @!p1 $0x4000, s19;
	s18 =	sor.u32 @!p1 s20, s18  }
0x3d: {  	s16 =	ssub.s32 @!p1 s16, s17;
	s17 =	sshrl.u32 @!p1 s18, $0x3;
	s18 =	sand.u32 @!p1 $0x7, s11  }
0x3e: {  	s16 =	sshll.u32 @!p1 s16, $0x6;
	s17 =	sadd.s32 @!p1 s5, s17;
	s18 =	sshll.u32 @!p1 s18, $0x12  }
0x3f: {  	s16 =	sadd.s32 @!p1 s16, s17;
	s17 =	sor.u32 @!p1 $0x400, s18;
	s18 =	simm.s32 @!p1 $0x1000  }
0x40: {  	[tilespmem:s19], [sflag:$0x1] =	stream.strided.gather @!p1 [hbm4b:s16+s17], $0x4000, s18, s17, $0x38;
	[tilespmem:$0x10100] =	vst v63  }
0x41: {  	p1 =	sge.u32 s31, s6  }
.Ltmp2:
0x42: {  	_ = 	snop;
	(pc) =	sbr.rel @p1 .LBB1_5-.Ltmp2, $1  }
0x43: {  	_ =	sdelay $0x3  }
0x44: {  	s16 =	simm.s32 $0x1  }
0x45: {  	_ =	swait.ge [sflag:s4], $0x4000;
	s16 =	simm.s32 @!p0 $0x0  }
0x46: {  	[sflag:s4] =	ssyncset.done $0x0;
	s17 =	sshll.u32 s16, $0xE  }
0x47: {  	[sflag:s4] =	ssyncadd.s32 $0xFFFFC000;
	s17 =	sor.u32 $0x40, s17  }
0x48: {  	s16 =	smul.u32 $0x10200, s16;
	v0 =	vld [tilespmem:s17+$0x30]  }
0x49: {  	v1 =	vld [tilespmem:s17+$0xFFFFFFD0]  }
0x4a: {  	s16 =	sshrl.u32 s16, $0x2;
	v5 =	vld [tilespmem:s17+$0xFFFFFFE0]  }
0x4b: {  	v6 =	vld [tilespmem:s17+$0xFFFFFFF0];
	s19 =	sor.u32 $0x8000, s16  }
0x4c: {  	s31 =	sand.u32 $0x1, s13;
	v4 =	vld [tilespmem:s17+$0x0];
	s18 =	sadd.s32 $0x0, s19  }
0x4d: {  	v3 =	vld [tilespmem:s17+$0x10];
	s16 =	smul.u32 $0x10200, s31;
	[tilespmem:s18+$0x3870 ss:$0x81] =	vst.msk $0xffff, v0  }
0x4e: {  	v2 =	vld [tilespmem:s17+$0x20];
	[tilespmem:s18+$0x810 ss:$0x81] =	vst.msk $0xffff, v1  }
0x4f: {  	s16 =	sshrl.u32 s16, $0x2;
	v0 =	vld [tilespmem:s17+$0xFFFFFFC0];
	[tilespmem:s18+$0x1020 ss:$0x81] =	vst.msk $0xffff, v5;
	s17 =	sadd.s32 $0x80, s17  }
0x50: {  	s20 =	simm.s32 $0x4;
	s21 =	simm.s32 $0x8;
	s16 =	sor.u32 $0x8000, s16;
	[tilespmem:s18+$0x1830 ss:$0x81] =	vst.msk $0xffff, v6;
	v1 =	vld [tilespmem:s17+$0x30]  }
.LBB1_3:
0x51: {  	p1 =	sne.s32 s21, $0x1FC;
	v5 =	vld [tilespmem:s17+$0xFFFFFFD0];
	[tilespmem:s18+$0x2040 ss:$0x81] =	vst.msk $0xffff, v4  }
0x52: {  	v6 =	vld [tilespmem:s17+$0xFFFFFFE0];
	[tilespmem:s18+$0x2850 ss:$0x81] =	vst.msk $0xffff, v3  }
0x53: {  	s22 =	sshra.s32 s20, $0x2;
	s20 =	smov.u32 s21;
	v7 =	vld [tilespmem:s17+$0xFFFFFFF0];
	[tilespmem:s18+$0x3060 ss:$0x81] =	vst.msk $0xffff, v2  }
.Ltmp3:
0x54: {  	v4 =	vld [tilespmem:s17+$0x0];
	[tilespmem:s18+$0x0 ss:$0x81] =	vst.msk $0xffff, v0;
	s18 =	sadd.s32 s22, s19;
	(pc) =	sbr.rel @p1 .LBB1_3-.Ltmp3, $4  }
0x55: {  	v3 =	vld [tilespmem:s17+$0x10];
	[tilespmem:s18+$0x3870 ss:$0x81] =	vst.msk $0xffff, v1  }
0x56: {  	[tilespmem:s18+$0x810 ss:$0x81] =	vst.msk $0xffff, v5;
	v2 =	vld [tilespmem:s17+$0x20]  }
0x57: {  	v0 =	vld [tilespmem:s17+$0xFFFFFFC0];
	[tilespmem:s18+$0x1020 ss:$0x81] =	vst.msk $0xffff, v6;
	s17 =	sadd.s32 $0x80, s17  }
0x58: {  	s21 =	sadd.s32 $0x4, s21;
	v1 =	vld [tilespmem:s17+$0x30];
	[tilespmem:s18+$0x1830 ss:$0x81] =	vst.msk $0xffff, v7  }
.Ltmp4:
0x59: {  	_ = 	snop;
	(pc) =	sbr.rel .LBB1_4-.Ltmp4, $1  }
0x5a: {  	_ =	sdelay $0x3  }
.LBB1_6:
0x5b: {  	_ =	sfence.sel $0x180000  }
0x5c: {  	s2 =	simm.s32 $0x1;
	[bflag:$0x0] =	sbarrier.arrive $0xFFFF  }
0x5d: {  	s31 =	simm.s32 $0x2;
	[sflag:s2] =	ssyncpa.u1 $0x1  }
0x5e: {  	[sflag:s31] =	ssyncpa.u1 $0x1  }
0x5f: {  	p0 =	sne.s32 s0, $0x0;
	_ =	strace $0x9000004A  }
0x60: {  	s0 =	sadd.s32 @!p0 $0x100000, s1;
	[bflag:$0x2] =	sbarrier.arrive $0xFFFF  }
0x61: {  	[sflag:s0] =	ssyncadd.tile.s32 @!p0 $0x1;
	_ =	shalt  }
.Lfunc_end1:
_tile_overlayer_lowered:
.L_overlay_start_2:
0x62: {  	(tag) =	ssettag $0x2  }
0x63: {  	s0 =	rddreg [dreg:$0x0];
	s2 =	stileid.u32  }
0x64: {  	s1 =	rddreg [dreg:$0x1];
	p0 =	sne.s32 s2, $0x0  }
0x65: {  	s3 =	rddreg [dreg:$0x2];
	[bflag:$0x3] =	sbarrier.arrive $0xFFFF;
	s2 =	simm.s32 @!p0 $0x1C01  }
0x66: {  	[timem:s3], [sflag:s2] =	dma.local @!p0 [hbm:s0], s1  }
0x67: {  	s0 =	simm.s32 @!p0 $0x1  }
0x68: {  	_ =	swait.ge @!p0 [sflag:s0], s1  }
0x69: {  	s1 =	ssub.s32 @!p0 $0x0, s1;
	[sflag:s0] =	ssyncset.done @!p0 $0x0  }
0x6a: {  	[sflag:s0] =	ssyncadd.s32 @!p0 s1  }
0x6b: {  	[bflag:$0x3] =	sbarrier.arrive $0xFFFF  }
0x6c: {  	_ =	shalt  }

// kernel: sparse-core-data-format-call.cloned.1.call-start
scs
called_computation_lowered:
.L_overlay_start_0:
0x0: {  	s2 =	sld [smem:$0x3FD9]  }
0x1: {  	s3 =	sld [smem:$0x3FFE];
	_ =	sdelay $0x1  }
0x2: {  	s1 =	srdreg.scid  }
0x3: {  	s0 =	sand.u32 $0x1, s1  }
0x4: {  	s16 =	sshll.u32 s0, $0xA;
	s2 =	sadd.s32 s3, s2  }
0x5: {  	s2 =	sadd.s32 s2, s16  }
0x6: {  	[smem:$0x3FB9] =	sst s2  }
0x7: {  	_ = 	snop  }
0x8: {  	s2 =	sld [smem:$0x3FD0];
	_ =	sdelay $0x2  }
0x9: {  	s17 =	simm.s32 $0xB;
	s4 =	simm.s32 $0x10  }
0xa: {  	[smem:s4], [sflag:s17] =	dma.local [hbm:s2], $0x1  }
0xb: {  	_ =	swait.eq [sflag:s17], $0x1  }
0xc: {  	[sflag:s17] =	ssyncset.done $0x0  }
0xd: {  	[sflag:s17] =	ssyncadd.s32 $0xFFFFFFFF  }
0xe: {  	s18 =	sld [smem:$0x11];
	(tm) =	ssettm $0x1  }
0xf: {  	s19 =	sld [smem:$0x3FFB];
	_ =	sdelay $0x3  }
0x10: {  	_ =	strace s19  }
0x11: {  	s2 =	sld [smem:$0x3FFC];
	_ =	sdelay $0x3  }
0x12: {  	_ =	strace s2  }
0x13: {  	s2 =	sld [smem:$0x3FFD];
	_ =	sdelay $0x3  }
0x14: {  	_ =	strace s2  }
0x15: {  	_ =	strace $0x8FFFFFFF  }
0x16: {  	s20 =	sld [smem:$0x3FDB];
	_ =	sdelay $0x1  }
0x17: {  	s21 =	simm.s32 $_scs_section_size  }
0x18: {  	s5 =	simm.s32 $_size__tile_overlayer_lowered;
	s6 =	simm.s32 $_tile_overlayer_lowered  }
0x19: {  	s7 =	simm.s32 $0x1BFF;
	s22 =	sshll.u32 s6, $0x1;
	s4 =	sadd.s32 s21, s20  }
0x1a: {  	s23 =	simm.s32 $0x0;
	s5 =	sshll.u32 s5, $0x1;
	s6 =	sadd.s32 s22, s4  }
0x1b: {  	[timem:s23], [sflag:s7] =	dma.local [hbm:s6], s5  }
0x1c: {  	_ =	swait.ge [sflag:s7], s5  }
0x1d: {  	s5 =	ssub.s32 $0x0, s5;
	[sflag:s7] =	ssyncset.done $0x0  }
0x1e: {  	[sflag:s7] =	ssyncadd.s32 s5;
	_ =	sdelay $0x1  }
0x1f: {  	s24 =	simm.s32 $0x1B8B  }
0x20: {  	_ =	swait.ge [sflag:s24], $0x1  }
0x21: {  	[sflag:s24] =	ssyncset.done $0x0  }
0x22: {  	[sflag:s24] =	ssyncadd.s32 $0xFFFFFFFF  }
0x23: {  	s5 =	sld [smem:$0x0]  }
0x24: {  	s6 =	sand.u32 $0xFFFFFFFE, s1  }
0x25: {  	p0 =	sne.s32 s1, s6  }
0x26: {  	s6 =	sshll.u32 @p0 s6, $0xE  }
0x27: {  	s6 =	sadd.s32 @p0 $0x11B8D, s6;
	s7 =	sshll.u32 @p0 s5, $0x11  }
0x28: {  	s6 =	sor.u32 @p0 s7, s6  }
0x29: {  	[sflag:s6] =	ssyncadd.remote.s32 @p0 $0x1;
	_ =	sdelay $0x1  }
0x2a: {  	s6 =	simm.s32 @p0 $0x1B8D  }
0x2b: {  	_ =	swait.eq @p0 [sflag:s6], $0x1  }
0x2c: {  	[sflag:s6] =	ssyncadd.s32 @p0 $0xFFFFFFFF  }
0x2d: {  	s7 =	sshll.u32 @!p0 s1, $0xE  }
0x2e: {  	s7 =	sor.u32 @!p0 $0x4000, s7;
	s6 =	simm.s32 @!p0 $0x1B8D  }
0x2f: {  	s5 =	sshll.u32 @!p0 s5, $0x11;
	s7 =	sadd.s32 @!p0 $0x11B8D, s7;
	_ =	swait.eq @!p0 [sflag:s6], $0x1  }
0x30: {  	s5 =	sor.u32 @!p0 s5, s7;
	[sflag:s6] =	ssyncadd.s32 @!p0 $0xFFFFFFFF  }
0x31: {  	s26 =	simm.s32 $0x1B8E;
	s25 =	sld [smem:$0x3FFE];
	[sflag:s5] =	ssyncadd.remote.s32 @!p0 $0x1  }
0x32: {  	s27 =	simm.s32 $execute0_lowered;
	[smem:$0x3FD2] =	sst s26  }
0x33: {  	s6 =	sshll.u32 s27, $0x1;
	_ =	strace $0x8000004C;
	[dreg:$0x1] =	wrdreg $0xFFFFFFFF  }
0x34: {  	s28 =	simm.s32 $_size_execute0_lowered;
	s4 =	sadd.s32 s4, s6;
	[dreg:$0x0] =	wrdreg $0x0  }
0x35: {  	s6 =	sshll.u32 s28, $0x1;
	[dreg:$0x2] =	wrdreg s4  }
0x36: {  	[dreg:$0x3] =	wrdreg s6  }
0x37: {  	[dreg:$0x4] =	wrdreg $0xC0  }
0x38: {  	_ =	task [dreg:s23], $0x5FFFF  }
0x39: {  	[dreg:$0x1] =	wrdreg $0xFFFFFFFF  }
0x3a: {  	[dreg:$0x0] =	wrdreg $0x60  }
0x3b: {  	[dreg:$0x2] =	wrdreg s25  }
0x3c: {  	[dreg:$0x3] =	wrdreg s18  }
0x3d: {  	[dreg:$0x4] =	wrdreg $0x9  }
0x3e: {  	_ =	task.clear_ibuf [dreg:s23], $0x5FFFF;
	_ =	strace $0x9000004C  }
0x3f: {  	s29 =	simm.s32 $0x9;
	_ =	strace $0x8000004E  }
0x40: {  	_ =	swait.ge [sflag:s29], $0x1  }
0x41: {  	[sflag:s29] =	ssyncadd.s32 $0xFFFFFFFF  }
0x42: {  	_ =	strace $0x9000004E  }
0x43: {  	_ =	sfence  }
0x44: {  	s30 =	sld [smem:$0x0];
	_ =	sdelay $0x2  }
0x45: {  	s31 =	sshll.u32 s1, $0xD;
	s1 =	sshrl.u32 s1, $0x2  }
0x46: {  	s4 =	sand.u32 $0x4000, s31;
	s1 =	sadd.s32 s1, s30  }
0x47: {  	s0 =	sor.u32 s4, s0;
	s1 =	sshll.u32 s1, $0x11  }
0x48: {  	s0 =	sor.u32 s1, s0  }
0x49: {  	s0 =	sadd.s32 $0x8F2B, s0  }
0x4a: {  	[sflag:s0] =	ssyncadd.remote.s32 $0x1  }
0x4b: {  	_ =	sfence.sel $0xFFFF  }
0x4c: {  	[dreg:$0x0] =	wrdreg $0xFFFFFFFF;
	(pc) =	sbr.abs _section_cstart, $3  }
0x4d: {  	[dreg:$0x1] =	wrdreg $0xFFFFFFFF  }
0x4e: {  	_ =	task.clear_ibuf [dreg:s23], $0x2FFFF;
	_ =	strace $0x9FFFFFFF  }
0x4f: {  	(tm) =	ssettm $0x7FFFFFFF  }
tec
execute0_lowered:
.L_overlay_start_1:
0x0: {  	(tag) =	ssettag $0x1  }
0x1: {  	s0 =	srdreg.scid;
	s5 =	rddreg [dreg:$0x0]  }
0x2: {  	s3 =	rddreg [dreg:$0x1];
	s1 =	sshll.u32 s0, $0x4  }
0x3: {  	s7 =	simm.s32 $0x1;
	s0 =	stileid.u32;
	s1 =	sand.u32 $0x10, s1  }
0x4: {  	s8 =	simm.s32 $0x2;
	s15 =	simm.s32 $0x0;
	s1 =	sor.u32 s0, s1  }
0x5: {  	s14 =	simm.s32 $0x0;
	s9 =	simm.s32 $0x0;
	s2 =	sshll.u32 s1, $0x7  }
0x6: {  	s10 =	simm.s32 $0x0;
	s11 =	simm.s32 $0x0;
	s6 =	ssub.s32 $0x32000, s2  }
0x7: {  	s13 =	simm.s32 $0x0;
	s5 =	sadd.s32 $0xC8DC00, s5;
	s4 =	sand.u32 $0xF80, s6  }
.Ltmp0:
0x8: {  	s1 =	rddreg [dreg:$0x2];
	p0 =	sne.s32 s4, $0x0;
	(pc) =	sbr.rel .LBB1_1-.Ltmp0, $4  }
0x9: {  	_ =	strace $0x8000004D;
	s6 =	sshrl.u32 s6, $0xC;
	s7 =	simm.s32 @!p0 $0x0  }
0xa: {  	s12 =	smov.u32 s2;
	s4 =	simm.s32 $0x1;
	s6 =	sadd.s32 s7, s6  }
0xb: {  	[sflag:s4] =	ssyncpa.u1 $0x0;
	p0 =	por $0x0, $0x0;
	s6 =	sshll.u32 s6, $0x2  }
0xc: {  	[sflag:s8] =	ssyncpa.u1 $0x0;
	s8 =	simm.s32 $0x190000;
	s7 =	sor.u32 $0x1, s6  }
.LBB1_4:
0xd: {  	s21 =	sshrl.u32 s9, $0x3;
	s22 =	sshll.u32 s10, $0x3  }
0xe: {  	s20 =	sshra.s32 s20, $0x2;
	s23 =	sshll.u32 s9, $0x7;
	s24 =	sand.u32 $0x7F, s10  }
0xf: {  	p1 =	sgt.s32 s9, $0x140;
	s28 =	sshra.s32 s9, $0x1F;
	s21 =	smul.u32 $0x190000, s21  }
0x10: {  	s29 =	sshra.s32 s10, $0x1F;
	s22 =	sand.u32 $0xFFFFFC00, s22;
	s25 =	sand.u32 $0x380, s23  }
0x11: {  	s19 =	sadd.s32 s20, s19;
	s26 =	sor.u32 s24, s25;
	s21 =	sadd.s32 s22, s21  }
0x12: {  	s27 =	smulhi.u32 $0x51EB851F, s21;
	s20 =	sor.u32 s21, s26;
	s21 =	smov.u32 s9  }
0x13: {  	v5 =	vld [tilespmem:s17+$0xFFFFFFD0];
	[tilespmem:s18+$0x2040 ss:$0x81] =	vst.msk $0xffff, v4;
	s23 =	sand.u32 s28, s9;
	s24 =	sand.u32 s29, s10;
	s21 =	simm.s32 @!p1 $0x140  }
0x14: {  	v58 =	vld [tilespmem:s17+$0xFFFFFFE0];
	[tilespmem:s18+$0x2850 ss:$0x81] =	vst.msk $0xffff, v3;
	p1 =	sgt.s32 s10, $0x31F80;
	s30 =	smulhi.u32 $0x51EB851F, s20;
	s22 =	sshrl.u32 s27, $0x10  }
0x15: {  	v59 =	vld [tilespmem:s17+$0xFFFFFFF0];
	[tilespmem:s18+$0x3060 ss:$0x81] =	vst.msk $0xffff, v2;
	s21 =	ssub.s32 s21, s23;
	s23 =	smov.u32 s10;
	s25 =	smul.u32 $0x4925, s22  }
0x16: {  	v60 =	vld [tilespmem:s17+$0x0];
	[tilespmem:s18+$0x0 ss:$0x81] =	vst.msk $0xffff, v0;
	s23 =	simm.s32 @!p1 $0x31F80;
	s31 =	sadd.s32 $0xFFFFFEC0, s21;
	s18 =	sshrl.u32 s30, $0x10  }
0x17: {  	v61 =	vld [tilespmem:s17+$0x10];
	[tilespmem:s19+$0x3870 ss:$0x81] =	vst.msk $0xffff, v1;
	s23 =	ssub.s32 s23, s24;
	s28 =	smul.u32 $0x32000, s18;
	s25 =	sshrl.u32 s25, $0x17  }
0x18: {  	v62 =	vld [tilespmem:s17+$0x20];
	[tilespmem:s19+$0x810 ss:$0x81] =	vst.msk $0xffff, v5;
	p1 =	sgt.s32 s31, $0x7F;
	s26 =	sadd.s32 $0xFFFCE080, s23;
	s27 =	smul.u32 $0x1C0, s25  }
0x19: {  	v63 =	vld [tilespmem:s17+$0xFFFFFFC0];
	[tilespmem:s19+$0x1020 ss:$0x81] =	vst.msk $0xffff, v58;
	s18 =	ssub.s32 $0x1C0, s21;
	s21 =	ssub.s32 $0x32000, s23;
	p2 =	sgt.s32 s26, $0x7F  }
0x1a: {  	[tilespmem:s19+$0x1830 ss:$0x81] =	vst.msk $0xffff, v59;
	s18 =	simm.s32 @p1 $0x0;
	s21 =	simm.s32 @p2 $0x0;
	s22 =	ssub.s32 s22, s27  }
0x1b: {  	[tilespmem:s19+$0x2040 ss:$0x81] =	vst.msk $0xffff, v60;
	s17 =	ssub.s32 s20, s28;
	s18 =	smul.u32 s21, s18;
	s29 =	sand.u32 $0xFFFF, s22  }
0x1c: {  	[tilespmem:s19+$0x2850 ss:$0x81] =	vst.msk $0xffff, v61;
	s30 =	sshrl.u32 s17, $0x3;
	s17 =	sand.u32 $0x7, s17;
	s20 =	smul.u32 $0x6400, s29  }
0x1d: {  	[tilespmem:s19+$0x3060 ss:$0x81] =	vst.msk $0xffff, v62;
	s21 =	sadd.s32 s3, s30;
	s17 =	sshll.u32 s17, $0x12  }
0x1e: {  	[tilespmem:s19+$0x0 ss:$0x81] =	vst.msk $0xffff, v63;
	s17 =	sor.u32 $0x400, s17;
	s18 =	sand.u32 $0x3FFFFFFF, s18;
	s31 =	sadd.s32 s20, s21  }
0x1f: {  	[hbm4b:s31+s17] =	stream.strided.scatter [tilespmem:s16], [sflag:$0x2], s18, s8, s17, $0x20;
	[tilespmem:$0x10100] =	vst v63  }
.LBB1_5:
0x20: {  	p1 =	slt.u32 s13, $0x2  }
0x21: {  	s17 =	smov.u32 s15;
	p2 =	sgt.s32 @!p1 s15, $0x140;
	s16 =	sshra.s32 @!p1 s15, $0x1F  }
0x22: {  	p3 =	sgt.s32 @!p1 s14, $0x31F80;
	s18 =	sshra.s32 @!p1 s14, $0x1F;
	p2 =	por !p2, p1  }
0x23: {  	s15 =	sand.u32 @!p1 s16, s15;
	p3 =	por !p3, p1;
	s16 =	smov.u32 s14  }
0x24: {  	s14 =	sand.u32 @!p1 s18, s14;
	s17 =	simm.s32 @p2 $0x140;
	s16 =	simm.s32 @p3 $0x31F80  }
0x25: {  	s15 =	ssub.s32 @!p1 s17, s15;
	s14 =	ssub.s32 @!p1 s16, s14  }
0x26: {  	s18 =	smov.u32 s12;
	s16 =	sadd.s32 @!p1 $0xFFFFFEC0, s15;
	s17 =	sadd.s32 @!p1 $0xFFFCE080, s14  }
0x27: {  	s15 =	ssub.s32 @!p1 $0x1C0, s15;
	p2 =	sgt.s32 @!p1 s16, $0x7F;
	p3 =	sgt.s32 @!p1 s17, $0x7F  }
0x28: {  	s14 =	ssub.s32 @!p1 $0x32000, s14;
	p2 =	por !p2, p1;
	p3 =	por !p3, p1  }
0x29: {  	s16 =	sadd.s32 $0x80, s11;
	s15 =	simm.s32 @!p2 $0x0;
	s14 =	simm.s32 @!p3 $0x0  }
0x2a: {  	p2 =	sgt.s32 s16, $0x1BF;
	s14 =	smul.u32 @!p1 s14, s15;
	s15 =	sadd.s32 $0x1000, s12  }
0x2b: {  	s18 =	smov.u32 @p2 s15  }
0x2c: {  	s16 =	simm.s32 @p2 $0x0;
	p2 =	sgt.s32 s18, $0x31FFF  }
0x2d: {  	s18 =	smov.u32 @p2 s2;
	p2 =	sne.s32 s13, s7  }
.Ltmp1:
0x2e: {  	p0 =	por !p0, !p0;
	s17 =	simm.s32 @!p1 $0x2;
	(pc) =	sbr.rel @!p2 .LBB1_6-.Ltmp1, $4  }
0x2f: {  	s15 =	smov.u32 s9;
	s9 =	smov.u32 s11;
	s14 =	sand.u32 @!p1 $0x3FFFFFFF, s14  }
0x30: {  	s11 =	smov.u32 s16;
	_ =	swait.ge @!p1 [sflag:s17], s14;
	s19 =	ssub.s32 @!p1 $0x0, s14  }
0x31: {  	s14 =	smov.u32 s10;
	s13 =	sadd.s32 $0x1, s13;
	[sflag:s17] =	ssyncset.done @!p1 $0x0  }
0x32: {  	s10 =	smov.u32 s12;
	s12 =	smov.u32 s18;
	[sflag:s17] =	ssyncadd.s32 @!p1 s19  }
.LBB1_1:
0x33: {  	p1 =	sge.u32 s13, s6  }
0x34: {  	s16 =	sshll.u32 @!p1 s12, $0x9;
	s17 =	sshll.u32 @!p1 s11, $0x3  }
0x35: {  	s18 =	sshll.u32 @!p1 s12, $0x7;
	s16 =	sand.u32 @!p1 $0xFFFFF000, s16;
	s17 =	sand.u32 @!p1 $0xFFFFFC00, s17  }
0x36: {  	s16 =	sadd.s32 @!p1 s16, s17;
	s17 =	sand.u32 @!p1 $0x200, s18  }
0x37: {  	s16 =	sor.u32 @!p1 s17, s16  }
0x38: {  	s16 =	sshrl.u32 @!p1 s16, $0x9  }
0x39: {  	s17 =	smulhi.u32 @!p1 $0xA3D70B, s16;
	_ =	sdelay $0x1  }
0x3a: {  	s19 =	sxor.u32 @!p1 $0xFFFFFFFF, s13;
	s20 =	sand.u32 @!p1 $0x78, s11;
	s17 =	sshrl.u32 @!p1 s17, $0x9  }
0x3b: {  	s19 =	sshll.u32 @!p1 s19, $0xE;
	s18 =	sand.u32 @!p1 $0x180, s18;
	s17 =	smul.u32 @!p1 $0x32000, s17  }
0x3c: {  	s31 =	sadd.s32 $0xFFFFFFFF, s13;
	s19 =	sand.u32 @!p1 $0x4000, s19;
	s18 =	sor.u32 @!p1 s20, s18  }
0x3d: {  	s16 =	ssub.s32 @!p1 s16, s17;
	s17 =	sshrl.u32 @!p1 s18, $0x3;
	s18 =	sand.u32 @!p1 $0x7, s11  }
0x3e: {  	s16 =	sshll.u32 @!p1 s16, $0x6;
	s17 =	sadd.s32 @!p1 s5, s17;
	s18 =	sshll.u32 @!p1 s18, $0x12  }
0x3f: {  	s16 =	sadd.s32 @!p1 s16, s17;
	s17 =	sor.u32 @!p1 $0x400, s18;
	s18 =	simm.s32 @!p1 $0x1000  }
0x40: {  	[tilespmem:s19], [sflag:$0x1] =	stream.strided.gather @!p1 [hbm4b:s16+s17], $0x4000, s18, s17, $0x38;
	[tilespmem:$0x10100] =	vst v63  }
0x41: {  	p1 =	sge.u32 s31, s6  }
.Ltmp2:
0x42: {  	_ = 	snop;
	(pc) =	sbr.rel @p1 .LBB1_5-.Ltmp2, $1  }
0x43: {  	_ =	sdelay $0x3  }
0x44: {  	s16 =	simm.s32 $0x1  }
0x45: {  	_ =	swait.ge [sflag:s4], $0x4000;
	s16 =	simm.s32 @!p0 $0x0  }
0x46: {  	[sflag:s4] =	ssyncset.done $0x0;
	s17 =	sshll.u32 s16, $0xE  }
0x47: {  	[sflag:s4] =	ssyncadd.s32 $0xFFFFC000;
	s17 =	sor.u32 $0x40, s17  }
0x48: {  	s16 =	smul.u32 $0x10200, s16;
	v0 =	vld [tilespmem:s17+$0x30]  }
0x49: {  	v1 =	vld [tilespmem:s17+$0xFFFFFFD0]  }
0x4a: {  	s16 =	sshrl.u32 s16, $0x2;
	v5 =	vld [tilespmem:s17+$0xFFFFFFE0]  }
0x4b: {  	v6 =	vld [tilespmem:s17+$0xFFFFFFF0];
	s19 =	sor.u32 $0x8000, s16  }
0x4c: {  	s31 =	sand.u32 $0x1, s13;
	v4 =	vld [tilespmem:s17+$0x0];
	s18 =	sadd.s32 $0x0, s19  }
0x4d: {  	v3 =	vld [tilespmem:s17+$0x10];
	s16 =	smul.u32 $0x10200, s31;
	[tilespmem:s18+$0x3870 ss:$0x81] =	vst.msk $0xffff, v0  }
0x4e: {  	v2 =	vld [tilespmem:s17+$0x20];
	[tilespmem:s18+$0x810 ss:$0x81] =	vst.msk $0xffff, v1  }
0x4f: {  	s16 =	sshrl.u32 s16, $0x2;
	v0 =	vld [tilespmem:s17+$0xFFFFFFC0];
	[tilespmem:s18+$0x1020 ss:$0x81] =	vst.msk $0xffff, v5;
	s17 =	sadd.s32 $0x80, s17  }
0x50: {  	s20 =	simm.s32 $0x4;
	s21 =	simm.s32 $0x8;
	s16 =	sor.u32 $0x8000, s16;
	[tilespmem:s18+$0x1830 ss:$0x81] =	vst.msk $0xffff, v6;
	v1 =	vld [tilespmem:s17+$0x30]  }
.LBB1_3:
0x51: {  	p1 =	sne.s32 s21, $0x1FC;
	v5 =	vld [tilespmem:s17+$0xFFFFFFD0];
	[tilespmem:s18+$0x2040 ss:$0x81] =	vst.msk $0xffff, v4  }
0x52: {  	v6 =	vld [tilespmem:s17+$0xFFFFFFE0];
	[tilespmem:s18+$0x2850 ss:$0x81] =	vst.msk $0xffff, v3  }
0x53: {  	s22 =	sshra.s32 s20, $0x2;
	s20 =	smov.u32 s21;
	v7 =	vld [tilespmem:s17+$0xFFFFFFF0];
	[tilespmem:s18+$0x3060 ss:$0x81] =	vst.msk $0xffff, v2  }
.Ltmp3:
0x54: {  	v4 =	vld [tilespmem:s17+$0x0];
	[tilespmem:s18+$0x0 ss:$0x81] =	vst.msk $0xffff, v0;
	s18 =	sadd.s32 s22, s19;
	(pc) =	sbr.rel @p1 .LBB1_3-.Ltmp3, $4  }
0x55: {  	v3 =	vld [tilespmem:s17+$0x10];
	[tilespmem:s18+$0x3870 ss:$0x81] =	vst.msk $0xffff, v1  }
0x56: {  	[tilespmem:s18+$0x810 ss:$0x81] =	vst.msk $0xffff, v5;
	v2 =	vld [tilespmem:s17+$0x20]  }
0x57: {  	v0 =	vld [tilespmem:s17+$0xFFFFFFC0];
	[tilespmem:s18+$0x1020 ss:$0x81] =	vst.msk $0xffff, v6;
	s17 =	sadd.s32 $0x80, s17  }
0x58: {  	s21 =	sadd.s32 $0x4, s21;
	v1 =	vld [tilespmem:s17+$0x30];
	[tilespmem:s18+$0x1830 ss:$0x81] =	vst.msk $0xffff, v7  }
.Ltmp4:
0x59: {  	_ = 	snop;
	(pc) =	sbr.rel .LBB1_4-.Ltmp4, $1  }
0x5a: {  	_ =	sdelay $0x3  }
.LBB1_6:
0x5b: {  	_ =	sfence.sel $0x180000  }
0x5c: {  	s2 =	simm.s32 $0x1;
	[bflag:$0x0] =	sbarrier.arrive $0xFFFF  }
0x5d: {  	s31 =	simm.s32 $0x2;
	[sflag:s2] =	ssyncpa.u1 $0x1  }
0x5e: {  	[sflag:s31] =	ssyncpa.u1 $0x1  }
0x5f: {  	p0 =	sne.s32 s0, $0x0;
	_ =	strace $0x9000004D  }
0x60: {  	s0 =	sadd.s32 @!p0 $0x100000, s1;
	[bflag:$0x2] =	sbarrier.arrive $0xFFFF  }
0x61: {  	[sflag:s0] =	ssyncadd.tile.s32 @!p0 $0x1;
	_ =	shalt  }
.Lfunc_end1:
_tile_overlayer_lowered:
.L_overlay_start_2:
0x62: {  	(tag) =	ssettag $0x2  }
0x63: {  	s0 =	rddreg [dreg:$0x0];
	s2 =	stileid.u32  }
0x64: {  	s1 =	rddreg [dreg:$0x1];
	p0 =	sne.s32 s2, $0x0  }
0x65: {  	s3 =	rddreg [dreg:$0x2];
	[bflag:$0x3] =	sbarrier.arrive $0xFFFF;
	s2 =	simm.s32 @!p0 $0x1C01  }
0x66: {  	[timem:s3], [sflag:s2] =	dma.local @!p0 [hbm:s0], s1  }
0x67: {  	s0 =	simm.s32 @!p0 $0x1  }
0x68: {  	_ =	swait.ge @!p0 [sflag:s0], s1  }
0x69: {  	s1 =	ssub.s32 @!p0 $0x0, s1;
	[sflag:s0] =	ssyncset.done @!p0 $0x0  }
0x6a: {  	[sflag:s0] =	ssyncadd.s32 @!p0 s1  }
0x6b: {  	[bflag:$0x3] =	sbarrier.arrive $0xFFFF  }
0x6c: {  	_ =	shalt  }

</sc_bundles>
